<compile_context>
chip_gen: v7x
topology: tpu7x:2x2x1
jax: 0.10.2.dev20260603
libtpu: 0.0.44.dev20260713+nightly
codegen_flags: <defaults>
</compile_context>

<pallas_src>
import functools

import jax
import jax.numpy as jnp
from jax import lax
from jax.experimental import pallas as pl
from jax.experimental.pallas import tpu as pltpu
from jax.experimental.pallas import tpu_sc as plsc

NUM_CODES = 1296
CODE_DIM = 256
TILE_N = 512


def _vq_body(x_ref, emb_ref, x2_ref, codes_ref):
    x = x_ref[...]
    xm2 = -2.0 * x

    mm = lax.dot_general(xm2, emb_ref[...], (((1,), (1,)), ((), ())),
                         preferred_element_type=jnp.float32)
    x1 = jnp.sum(x * x, axis=1, keepdims=True)
    d = (x1 + x2_ref[...]) + mm

    m = jnp.min(d, axis=1, keepdims=True)
    kf = lax.broadcasted_iota(jnp.int32, (TILE_N, NUM_CODES), 1).astype(jnp.float32)
    idxf = jnp.min(jnp.where(d == m, kf, jnp.float32(3e38)), axis=1)
    codes_ref[0, 0, :] = idxf.astype(jnp.int32)


def _argmin_codes(xf, emb, x2row):
    total = xf.shape[0]
    nb = total // TILE_N
    codes3d = pl.pallas_call(
        _vq_body,
        grid=(nb,),
        in_specs=[
            pl.BlockSpec((TILE_N, CODE_DIM), lambda i: (i, 0)),
            pl.BlockSpec((NUM_CODES, CODE_DIM), lambda i: (0, 0)),
            pl.BlockSpec((1, NUM_CODES), lambda i: (0, 0)),
        ],
        out_specs=pl.BlockSpec((1, 1, TILE_N), lambda i: (i, 0, 0)),
        out_shape=jax.ShapeDtypeStruct((nb, 1, TILE_N), jnp.int32),
    )(xf, emb, x2row)
    return codes3d.reshape(total)


def _sc_gather(table, idx_flat):
    info = plsc.get_sparse_core_info()
    nc, ns = info.num_cores, info.num_subcores
    nw = nc * ns
    total = idx_flat.shape[0]
    b_per_w = total // nw
    chunk = min(128, b_per_w)
    n_chunks = b_per_w // chunk
    mesh = plsc.VectorSubcoreMesh(core_axis_name="c", subcore_axis_name="s")

    @functools.partial(
        pl.kernel, mesh=mesh,
        out_type=jax.ShapeDtypeStruct((total, CODE_DIM), jnp.float32),
        scratch_types=[
            pltpu.VMEM((chunk,), jnp.int32),
            pltpu.VMEM((chunk,), jnp.int32),
            pltpu.VMEM((chunk, CODE_DIM), jnp.float32),
            pltpu.VMEM((chunk, CODE_DIM), jnp.float32),
            pltpu.SemaphoreType.DMA,
            pltpu.SemaphoreType.DMA,
            pltpu.SemaphoreType.DMA,
            pltpu.SemaphoreType.DMA,
        ],
    )
    def gather_k(table_hbm, idx_hbm, out_hbm,
                 idx0, idx1, rows0, rows1, gs0, gs1, ws0, ws1):
        wid = lax.axis_index("s") * nc + lax.axis_index("c")
        base = wid * b_per_w
        bufs = ((idx0, rows0, gs0, ws0), (idx1, rows1, gs1, ws1))
        writeback = [None, None]
        for c in range(n_chunks):
            bi = c & 1
            idx_v, rows_v, gsem, wsem = bufs[bi]
            if writeback[bi] is not None:
                writeback[bi].wait()
            off = base + c * chunk
            pltpu.sync_copy(idx_hbm.at[pl.ds(off, chunk)], idx_v)
            pltpu.async_copy(table_hbm.at[idx_v], rows_v, gsem).wait()
            writeback[bi] = pltpu.async_copy(
                rows_v, out_hbm.at[pl.ds(off, chunk)], wsem)
        for wb in writeback:
            if wb is not None:
                wb.wait()

    return gather_k(table, idx_flat)


@jax.jit
def kernel(inputs, embeddings):
    b, m, n, d = inputs.shape
    total = b * m * n
    xf = inputs.reshape(total, d)
    x2row = jnp.sum(embeddings ** 2, axis=-1)[None, :]

    codes_flat = _argmin_codes(xf, embeddings, x2row)
    vecs = _sc_gather(embeddings, codes_flat)

    return (codes_flat.reshape(b, m, n), vecs.reshape(b, m, n, d))

# --- scband reference (transcript-rebuilt; emitter-appended) ---
"""Pipeline reference for scband-vector-quantizer-63264868270490 (READ-ONLY COPY).

The authoritative reference and input builder live on the scoring server;
editing this copy changes nothing except your own understanding.
"""

import jax, jax.numpy as jnp
import numpy as np

NUM_CODES = 1296
CODE_DIM = 256

def setup_inputs(seed: int = 0) -> dict:
    key = jax.random.key(seed)
    k1, k2 = jax.random.split(key)
    inputs = jax.random.normal(k1, (16, 32, 32, CODE_DIM), dtype=jnp.float32)
    # lecun_normal initializer: stddev = sqrt(1/fan_in)
    embeddings = jax.random.normal(k2, (NUM_CODES, CODE_DIM), dtype=jnp.float32) * (1.0 / np.sqrt(CODE_DIM))
    return {"inputs": inputs, "embeddings": embeddings}

def reference(inputs, embeddings):
    # x1: [b, m, n, 1] squared norms of inputs
    x1 = jnp.sum(inputs ** 2, axis=-1, keepdims=True)
    # x2: [k] squared norms of codebook entries
    x2 = jnp.sum(embeddings ** 2, axis=-1)
    # x3: [b, m, n, k] inner products
    x3 = jnp.einsum('bmnd,kd->bmnk', inputs, embeddings)
    D = x1 + x2 - 2.0 * x3
    codes = jnp.argmin(D, axis=-1).astype(jnp.int32)
    code_vecs = jnp.take(embeddings, codes, axis=0)
    return (codes, code_vecs)

if __name__ == "__main__":
    import jax
    _d = setup_inputs()
    print(jax.jit(kernel)(*tuple(_d.values())))

</pallas_src>

<mosaic_0001>
#map = affine_map<(d0, d1) -> (0, 0)>
#map1 = affine_map<(d0, d1) -> (0)>
module attributes {stable_mosaic.version = 14 : i64} {
  func.func @gather_k(%arg0: i32, %arg1: i32, %arg2: memref<1296x256xf32, #tpu.memory_space<hbm>>, %arg3: memref<16384xi32, #tpu.memory_space<hbm>>, %arg4: memref<16384x256xf32, #tpu.memory_space<hbm>>, %arg5: memref<128xi32, #tpu.memory_space<vmem>>, %arg6: memref<128xi32, #tpu.memory_space<vmem>>, %arg7: memref<128x256xf32, #tpu.memory_space<vmem>>, %arg8: memref<128x256xf32, #tpu.memory_space<vmem>>, %arg9: memref<!tpu.dma_semaphore, #tpu.memory_space<semaphore_mem>>, %arg10: memref<!tpu.dma_semaphore, #tpu.memory_space<semaphore_mem>>, %arg11: memref<!tpu.dma_semaphore, #tpu.memory_space<semaphore_mem>>, %arg12: memref<!tpu.dma_semaphore, #tpu.memory_space<semaphore_mem>>) attributes {dimension_semantics = [#tpu.dimension_semantics<core_parallel>, #tpu.dimension_semantics<subcore_parallel>], iteration_bounds = array<i64: 2, 16>, scalar_prefetch = 0 : i64, scratch_operands = 8 : i64, tpu.core_type = #tpu.core_type<sc_vector_subcore>, window_params = [{transform_indices = #map}, {transform_indices = #map1}, {transform_indices = #map}]} {
    %mul3A = arith.constant 2 : i32
    %mul3A_0 = arith.muli %arg1, %mul3A : i32
    %add3A = arith.addi %mul3A_0, %arg0 : i32
    %mul3A_1 = arith.constant 512 : i32
    %mul3A_2 = arith.muli %add3A, %mul3A_1 : i32
    %add3A_3 = arith.constant 0 : i32
    %add3A_4 = arith.addi %mul3A_2, %add3A_3 : i32
    "tpu.region"() ({
      %run_scoped3A = tpu.sem_alloc : memref<!tpu.dma_semaphore, #tpu.memory_space<semaphore_mem>>
      %dma_start3A_65 = tpu.memref_slice %arg3[%add3A_4] : memref<16384xi32, #tpu.memory_space<hbm>> -> memref<128xi32, #tpu.memory_space<hbm>>
      %dma_start3A_66 = tpu.memref_slice %arg3[%add3A_4] : memref<16384xi32, #tpu.memory_space<hbm>> -> memref<128xi32, #tpu.memory_space<hbm>>
      tpu.enqueue_dma source(%dma_start3A_66 : memref<128xi32, #tpu.memory_space<hbm>>) target(%arg5 : memref<128xi32, #tpu.memory_space<vmem>>) target_semaphore(%run_scoped3A : memref<!tpu.dma_semaphore, #tpu.memory_space<semaphore_mem>>)
      %dma_wait3A_67 = tpu.memref_slice %arg3[%add3A_4] : memref<16384xi32, #tpu.memory_space<hbm>> -> memref<128xi32, #tpu.memory_space<hbm>>
      %dma_wait3A_68 = tpu.memref_slice %arg3[%add3A_4] : memref<16384xi32, #tpu.memory_space<hbm>> -> memref<128xi32, #tpu.memory_space<hbm>>
      tpu.wait_dma2 semaphore(%run_scoped3A : memref<!tpu.dma_semaphore, #tpu.memory_space<semaphore_mem>>) src(%dma_wait3A_68 : memref<128xi32, #tpu.memory_space<hbm>>) dst(%arg5 : memref<128xi32, #tpu.memory_space<vmem>>)
      tpu.yield
    }) : () -> ()
    %dma_start3A = arith.constant 0 : i32
    %dma_start3A_5 = arith.constant 0 : i32
    %dma_start3A_6 = tpu.memref_slice %arg2[%dma_start3A, %dma_start3A_5] : memref<1296x256xf32, #tpu.memory_space<hbm>> -> memref<1296x256xf32, #tpu.memory_space<hbm>>
    tpu.enqueue_indirect_dma source(%dma_start3A_6 : memref<1296x256xf32, #tpu.memory_space<hbm>>) target(%arg7 : memref<128x256xf32, #tpu.memory_space<vmem>>) offsets(%arg5 : memref<128xi32, #tpu.memory_space<vmem>>) semaphore(%arg9 : memref<!tpu.dma_semaphore, #tpu.memory_space<semaphore_mem>>)
    %dma_wait3A = arith.constant 0 : i32
    %dma_wait3A_7 = arith.constant 0 : i32
    %dma_wait3A_8 = tpu.memref_slice %arg2[%dma_wait3A, %dma_wait3A_7] : memref<1296x256xf32, #tpu.memory_space<hbm>> -> memref<1296x256xf32, #tpu.memory_space<hbm>>
    tpu.wait_indirect_dma semaphore(%arg9 : memref<!tpu.dma_semaphore, #tpu.memory_space<semaphore_mem>>) src(%dma_wait3A_8 : memref<1296x256xf32, #tpu.memory_space<hbm>>) dst(%arg7 : memref<128x256xf32, #tpu.memory_space<vmem>>)
    %dma_start3A_9 = arith.constant 0 : i32
    %dma_start3A_10 = tpu.memref_slice %arg4[%add3A_4, %dma_start3A_9] : memref<16384x256xf32, #tpu.memory_space<hbm>> -> memref<128x256xf32, #tpu.memory_space<hbm>>
    %dma_start3A_11 = arith.constant 0 : i32
    %dma_start3A_12 = tpu.memref_slice %arg4[%add3A_4, %dma_start3A_11] : memref<16384x256xf32, #tpu.memory_space<hbm>> -> memref<128x256xf32, #tpu.memory_space<hbm>>
    tpu.enqueue_dma source(%arg7 : memref<128x256xf32, #tpu.memory_space<vmem>>) target(%dma_start3A_12 : memref<128x256xf32, #tpu.memory_space<hbm>>) target_semaphore(%arg11 : memref<!tpu.dma_semaphore, #tpu.memory_space<semaphore_mem>>)
    %add3A_13 = arith.constant 128 : i32
    %add3A_14 = arith.addi %mul3A_2, %add3A_13 : i32
    "tpu.region"() ({
      %run_scoped3A = tpu.sem_alloc : memref<!tpu.dma_semaphore, #tpu.memory_space<semaphore_mem>>
      %dma_start3A_65 = tpu.memref_slice %arg3[%add3A_14] : memref<16384xi32, #tpu.memory_space<hbm>> -> memref<128xi32, #tpu.memory_space<hbm>>
      %dma_start3A_66 = tpu.memref_slice %arg3[%add3A_14] : memref<16384xi32, #tpu.memory_space<hbm>> -> memref<128xi32, #tpu.memory_space<hbm>>
      tpu.enqueue_dma source(%dma_start3A_66 : memref<128xi32, #tpu.memory_space<hbm>>) target(%arg6 : memref<128xi32, #tpu.memory_space<vmem>>) target_semaphore(%run_scoped3A : memref<!tpu.dma_semaphore, #tpu.memory_space<semaphore_mem>>)
      %dma_wait3A_67 = tpu.memref_slice %arg3[%add3A_14] : memref<16384xi32, #tpu.memory_space<hbm>> -> memref<128xi32, #tpu.memory_space<hbm>>
      %dma_wait3A_68 = tpu.memref_slice %arg3[%add3A_14] : memref<16384xi32, #tpu.memory_space<hbm>> -> memref<128xi32, #tpu.memory_space<hbm>>
      tpu.wait_dma2 semaphore(%run_scoped3A : memref<!tpu.dma_semaphore, #tpu.memory_space<semaphore_mem>>) src(%dma_wait3A_68 : memref<128xi32, #tpu.memory_space<hbm>>) dst(%arg6 : memref<128xi32, #tpu.memory_space<vmem>>)
      tpu.yield
    }) : () -> ()
    %dma_start3A_15 = arith.constant 0 : i32
    %dma_start3A_16 = arith.constant 0 : i32
    %dma_start3A_17 = tpu.memref_slice %arg2[%dma_start3A_15, %dma_start3A_16] : memref<1296x256xf32, #tpu.memory_space<hbm>> -> memref<1296x256xf32, #tpu.memory_space<hbm>>
    tpu.enqueue_indirect_dma source(%dma_start3A_17 : memref<1296x256xf32, #tpu.memory_space<hbm>>) target(%arg8 : memref<128x256xf32, #tpu.memory_space<vmem>>) offsets(%arg6 : memref<128xi32, #tpu.memory_space<vmem>>) semaphore(%arg10 : memref<!tpu.dma_semaphore, #tpu.memory_space<semaphore_mem>>)
    %dma_wait3A_18 = arith.constant 0 : i32
    %dma_wait3A_19 = arith.constant 0 : i32
    %dma_wait3A_20 = tpu.memref_slice %arg2[%dma_wait3A_18, %dma_wait3A_19] : memref<1296x256xf32, #tpu.memory_space<hbm>> -> memref<1296x256xf32, #tpu.memory_space<hbm>>
    tpu.wait_indirect_dma semaphore(%arg10 : memref<!tpu.dma_semaphore, #tpu.memory_space<semaphore_mem>>) src(%dma_wait3A_20 : memref<1296x256xf32, #tpu.memory_space<hbm>>) dst(%arg8 : memref<128x256xf32, #tpu.memory_space<vmem>>)
    %dma_start3A_21 = arith.constant 0 : i32
    %dma_start3A_22 = tpu.memref_slice %arg4[%add3A_14, %dma_start3A_21] : memref<16384x256xf32, #tpu.memory_space<hbm>> -> memref<128x256xf32, #tpu.memory_space<hbm>>
    %dma_start3A_23 = arith.constant 0 : i32
    %dma_start3A_24 = tpu.memref_slice %arg4[%add3A_14, %dma_start3A_23] : memref<16384x256xf32, #tpu.memory_space<hbm>> -> memref<128x256xf32, #tpu.memory_space<hbm>>
    tpu.enqueue_dma source(%arg8 : memref<128x256xf32, #tpu.memory_space<vmem>>) target(%dma_start3A_24 : memref<128x256xf32, #tpu.memory_space<hbm>>) target_semaphore(%arg12 : memref<!tpu.dma_semaphore, #tpu.memory_space<semaphore_mem>>)
    %dma_wait3A_25 = arith.constant 0 : i32
    %dma_wait3A_26 = tpu.memref_slice %arg4[%add3A_4, %dma_wait3A_25] : memref<16384x256xf32, #tpu.memory_space<hbm>> -> memref<128x256xf32, #tpu.memory_space<hbm>>
    %dma_wait3A_27 = arith.constant 0 : i32
    %dma_wait3A_28 = tpu.memref_slice %arg4[%add3A_4, %dma_wait3A_27] : memref<16384x256xf32, #tpu.memory_space<hbm>> -> memref<128x256xf32, #tpu.memory_space<hbm>>
    tpu.wait_dma2 semaphore(%arg11 : memref<!tpu.dma_semaphore, #tpu.memory_space<semaphore_mem>>) src(%arg7 : memref<128x256xf32, #tpu.memory_space<vmem>>) dst(%dma_wait3A_28 : memref<128x256xf32, #tpu.memory_space<hbm>>)
    %add3A_29 = arith.constant 256 : i32
    %add3A_30 = arith.addi %mul3A_2, %add3A_29 : i32
    "tpu.region"() ({
      %run_scoped3A = tpu.sem_alloc : memref<!tpu.dma_semaphore, #tpu.memory_space<semaphore_mem>>
      %dma_start3A_65 = tpu.memref_slice %arg3[%add3A_30] : memref<16384xi32, #tpu.memory_space<hbm>> -> memref<128xi32, #tpu.memory_space<hbm>>
      %dma_start3A_66 = tpu.memref_slice %arg3[%add3A_30] : memref<16384xi32, #tpu.memory_space<hbm>> -> memref<128xi32, #tpu.memory_space<hbm>>
      tpu.enqueue_dma source(%dma_start3A_66 : memref<128xi32, #tpu.memory_space<hbm>>) target(%arg5 : memref<128xi32, #tpu.memory_space<vmem>>) target_semaphore(%run_scoped3A : memref<!tpu.dma_semaphore, #tpu.memory_space<semaphore_mem>>)
      %dma_wait3A_67 = tpu.memref_slice %arg3[%add3A_30] : memref<16384xi32, #tpu.memory_space<hbm>> -> memref<128xi32, #tpu.memory_space<hbm>>
      %dma_wait3A_68 = tpu.memref_slice %arg3[%add3A_30] : memref<16384xi32, #tpu.memory_space<hbm>> -> memref<128xi32, #tpu.memory_space<hbm>>
      tpu.wait_dma2 semaphore(%run_scoped3A : memref<!tpu.dma_semaphore, #tpu.memory_space<semaphore_mem>>) src(%dma_wait3A_68 : memref<128xi32, #tpu.memory_space<hbm>>) dst(%arg5 : memref<128xi32, #tpu.memory_space<vmem>>)
      tpu.yield
    }) : () -> ()
    %dma_start3A_31 = arith.constant 0 : i32
    %dma_start3A_32 = arith.constant 0 : i32
    %dma_start3A_33 = tpu.memref_slice %arg2[%dma_start3A_31, %dma_start3A_32] : memref<1296x256xf32, #tpu.memory_space<hbm>> -> memref<1296x256xf32, #tpu.memory_space<hbm>>
    tpu.enqueue_indirect_dma source(%dma_start3A_33 : memref<1296x256xf32, #tpu.memory_space<hbm>>) target(%arg7 : memref<128x256xf32, #tpu.memory_space<vmem>>) offsets(%arg5 : memref<128xi32, #tpu.memory_space<vmem>>) semaphore(%arg9 : memref<!tpu.dma_semaphore, #tpu.memory_space<semaphore_mem>>)
    %dma_wait3A_34 = arith.constant 0 : i32
    %dma_wait3A_35 = arith.constant 0 : i32
    %dma_wait3A_36 = tpu.memref_slice %arg2[%dma_wait3A_34, %dma_wait3A_35] : memref<1296x256xf32, #tpu.memory_space<hbm>> -> memref<1296x256xf32, #tpu.memory_space<hbm>>
    tpu.wait_indirect_dma semaphore(%arg9 : memref<!tpu.dma_semaphore, #tpu.memory_space<semaphore_mem>>) src(%dma_wait3A_36 : memref<1296x256xf32, #tpu.memory_space<hbm>>) dst(%arg7 : memref<128x256xf32, #tpu.memory_space<vmem>>)
    %dma_start3A_37 = arith.constant 0 : i32
    %dma_start3A_38 = tpu.memref_slice %arg4[%add3A_30, %dma_start3A_37] : memref<16384x256xf32, #tpu.memory_space<hbm>> -> memref<128x256xf32, #tpu.memory_space<hbm>>
    %dma_start3A_39 = arith.constant 0 : i32
    %dma_start3A_40 = tpu.memref_slice %arg4[%add3A_30, %dma_start3A_39] : memref<16384x256xf32, #tpu.memory_space<hbm>> -> memref<128x256xf32, #tpu.memory_space<hbm>>
    tpu.enqueue_dma source(%arg7 : memref<128x256xf32, #tpu.memory_space<vmem>>) target(%dma_start3A_40 : memref<128x256xf32, #tpu.memory_space<hbm>>) target_semaphore(%arg11 : memref<!tpu.dma_semaphore, #tpu.memory_space<semaphore_mem>>)
    %dma_wait3A_41 = arith.constant 0 : i32
    %dma_wait3A_42 = tpu.memref_slice %arg4[%add3A_14, %dma_wait3A_41] : memref<16384x256xf32, #tpu.memory_space<hbm>> -> memref<128x256xf32, #tpu.memory_space<hbm>>
    %dma_wait3A_43 = arith.constant 0 : i32
    %dma_wait3A_44 = tpu.memref_slice %arg4[%add3A_14, %dma_wait3A_43] : memref<16384x256xf32, #tpu.memory_space<hbm>> -> memref<128x256xf32, #tpu.memory_space<hbm>>
    tpu.wait_dma2 semaphore(%arg12 : memref<!tpu.dma_semaphore, #tpu.memory_space<semaphore_mem>>) src(%arg8 : memref<128x256xf32, #tpu.memory_space<vmem>>) dst(%dma_wait3A_44 : memref<128x256xf32, #tpu.memory_space<hbm>>)
    %add3A_45 = arith.constant 384 : i32
    %add3A_46 = arith.addi %mul3A_2, %add3A_45 : i32
    "tpu.region"() ({
      %run_scoped3A = tpu.sem_alloc : memref<!tpu.dma_semaphore, #tpu.memory_space<semaphore_mem>>
      %dma_start3A_65 = tpu.memref_slice %arg3[%add3A_46] : memref<16384xi32, #tpu.memory_space<hbm>> -> memref<128xi32, #tpu.memory_space<hbm>>
      %dma_start3A_66 = tpu.memref_slice %arg3[%add3A_46] : memref<16384xi32, #tpu.memory_space<hbm>> -> memref<128xi32, #tpu.memory_space<hbm>>
      tpu.enqueue_dma source(%dma_start3A_66 : memref<128xi32, #tpu.memory_space<hbm>>) target(%arg6 : memref<128xi32, #tpu.memory_space<vmem>>) target_semaphore(%run_scoped3A : memref<!tpu.dma_semaphore, #tpu.memory_space<semaphore_mem>>)
      %dma_wait3A_67 = tpu.memref_slice %arg3[%add3A_46] : memref<16384xi32, #tpu.memory_space<hbm>> -> memref<128xi32, #tpu.memory_space<hbm>>
      %dma_wait3A_68 = tpu.memref_slice %arg3[%add3A_46] : memref<16384xi32, #tpu.memory_space<hbm>> -> memref<128xi32, #tpu.memory_space<hbm>>
      tpu.wait_dma2 semaphore(%run_scoped3A : memref<!tpu.dma_semaphore, #tpu.memory_space<semaphore_mem>>) src(%dma_wait3A_68 : memref<128xi32, #tpu.memory_space<hbm>>) dst(%arg6 : memref<128xi32, #tpu.memory_space<vmem>>)
      tpu.yield
    }) : () -> ()
    %dma_start3A_47 = arith.constant 0 : i32
    %dma_start3A_48 = arith.constant 0 : i32
    %dma_start3A_49 = tpu.memref_slice %arg2[%dma_start3A_47, %dma_start3A_48] : memref<1296x256xf32, #tpu.memory_space<hbm>> -> memref<1296x256xf32, #tpu.memory_space<hbm>>
    tpu.enqueue_indirect_dma source(%dma_start3A_49 : memref<1296x256xf32, #tpu.memory_space<hbm>>) target(%arg8 : memref<128x256xf32, #tpu.memory_space<vmem>>) offsets(%arg6 : memref<128xi32, #tpu.memory_space<vmem>>) semaphore(%arg10 : memref<!tpu.dma_semaphore, #tpu.memory_space<semaphore_mem>>)
    %dma_wait3A_50 = arith.constant 0 : i32
    %dma_wait3A_51 = arith.constant 0 : i32
    %dma_wait3A_52 = tpu.memref_slice %arg2[%dma_wait3A_50, %dma_wait3A_51] : memref<1296x256xf32, #tpu.memory_space<hbm>> -> memref<1296x256xf32, #tpu.memory_space<hbm>>
    tpu.wait_indirect_dma semaphore(%arg10 : memref<!tpu.dma_semaphore, #tpu.memory_space<semaphore_mem>>) src(%dma_wait3A_52 : memref<1296x256xf32, #tpu.memory_space<hbm>>) dst(%arg8 : memref<128x256xf32, #tpu.memory_space<vmem>>)
    %dma_start3A_53 = arith.constant 0 : i32
    %dma_start3A_54 = tpu.memref_slice %arg4[%add3A_46, %dma_start3A_53] : memref<16384x256xf32, #tpu.memory_space<hbm>> -> memref<128x256xf32, #tpu.memory_space<hbm>>
    %dma_start3A_55 = arith.constant 0 : i32
    %dma_start3A_56 = tpu.memref_slice %arg4[%add3A_46, %dma_start3A_55] : memref<16384x256xf32, #tpu.memory_space<hbm>> -> memref<128x256xf32, #tpu.memory_space<hbm>>
    tpu.enqueue_dma source(%arg8 : memref<128x256xf32, #tpu.memory_space<vmem>>) target(%dma_start3A_56 : memref<128x256xf32, #tpu.memory_space<hbm>>) target_semaphore(%arg12 : memref<!tpu.dma_semaphore, #tpu.memory_space<semaphore_mem>>)
    %dma_wait3A_57 = arith.constant 0 : i32
    %dma_wait3A_58 = tpu.memref_slice %arg4[%add3A_30, %dma_wait3A_57] : memref<16384x256xf32, #tpu.memory_space<hbm>> -> memref<128x256xf32, #tpu.memory_space<hbm>>
    %dma_wait3A_59 = arith.constant 0 : i32
    %dma_wait3A_60 = tpu.memref_slice %arg4[%add3A_30, %dma_wait3A_59] : memref<16384x256xf32, #tpu.memory_space<hbm>> -> memref<128x256xf32, #tpu.memory_space<hbm>>
    tpu.wait_dma2 semaphore(%arg11 : memref<!tpu.dma_semaphore, #tpu.memory_space<semaphore_mem>>) src(%arg7 : memref<128x256xf32, #tpu.memory_space<vmem>>) dst(%dma_wait3A_60 : memref<128x256xf32, #tpu.memory_space<hbm>>)
    %dma_wait3A_61 = arith.constant 0 : i32
    %dma_wait3A_62 = tpu.memref_slice %arg4[%add3A_46, %dma_wait3A_61] : memref<16384x256xf32, #tpu.memory_space<hbm>> -> memref<128x256xf32, #tpu.memory_space<hbm>>
    %dma_wait3A_63 = arith.constant 0 : i32
    %dma_wait3A_64 = tpu.memref_slice %arg4[%add3A_46, %dma_wait3A_63] : memref<16384x256xf32, #tpu.memory_space<hbm>> -> memref<128x256xf32, #tpu.memory_space<hbm>>
    tpu.wait_dma2 semaphore(%arg12 : memref<!tpu.dma_semaphore, #tpu.memory_space<semaphore_mem>>) src(%arg8 : memref<128x256xf32, #tpu.memory_space<vmem>>) dst(%dma_wait3A_64 : memref<128x256xf32, #tpu.memory_space<hbm>>)
    return
  }
}

module attributes {stable_mosaic.version = 14 : i64} {
  func.func @_vq_body(%arg0: i32, %arg1: memref<512x256xf32, #tpu.memory_space<vmem>>, %arg2: memref<1296x256xf32, #tpu.memory_space<vmem>>, %arg3: memref<1x1296xf32, #tpu.memory_space<vmem>>, %arg4: memref<1x1x512xi32, #tpu.memory_space<vmem>>) attributes {dimension_semantics = [#tpu.dimension_semantics<arbitrary>], iteration_bounds = array<i64: 32>, scalar_prefetch = 0 : i64, scratch_operands = 0 : i64, tpu.core_type = #tpu.core_type<tc>, window_params = [{transform_indices = @transform_0, window_bounds = array<i64: 512, 256>}, {pipeline_mode = #tpu.pipeline_mode<synchronous>, transform_indices = @transform_1, window_bounds = array<i64: 1296, 256>}, {pipeline_mode = #tpu.pipeline_mode<synchronous>, transform_indices = @transform_2, window_bounds = array<i64: 1, 1296>}, {transform_indices = @transform_3, window_bounds = array<i64: 1, 1, 512>}]} {
    %get3A = arith.constant 0 : index
    %get3A_0 = arith.constant 0 : index
    %get3A_1 = vector.load %arg1[%get3A, %get3A_0] : memref<512x256xf32, #tpu.memory_space<vmem>>, vector<512x256xf32>
    %mul3A = arith.constant -2.000000e+00 : f32
    %mul3A_2 = vector.broadcast %mul3A : f32 to vector<512x256xf32>
    %mul3A_3 = arith.mulf %mul3A_2, %get3A_1 : vector<512x256xf32>
    %get3A_4 = arith.constant 0 : index
    %get3A_5 = arith.constant 0 : index
    %get3A_6 = vector.load %arg2[%get3A_4, %get3A_5] : memref<1296x256xf32, #tpu.memory_space<vmem>>, vector<1296x256xf32>
    %dot_general3A = arith.constant dense<0.000000e+00> : vector<512x1296xf32>
    %dot_general3A_7 = tpu.matmul %mul3A_3, %get3A_6, %dot_general3A {dimension_numbers = #tpu.dot_dimension_numbers<[1], [1], [0], [0], [0, 0, 1, 0], [], []>, transpose_lhs_hint = false} : vector<512x256xf32>, vector<1296x256xf32>, vector<512x1296xf32> -> vector<512x1296xf32>
    %mul3A_8 = arith.mulf %get3A_1, %get3A_1 : vector<512x256xf32>
    %reduce_sum3A = arith.constant dense<0.000000e+00> : vector<512xf32>
    %reduce_sum3A_9 = vector.multi_reduction <add>, %mul3A_8, %reduce_sum3A [1] : vector<512x256xf32> to vector<512xf32>
    %broadcast_in_dim3A = vector.shape_cast %reduce_sum3A_9 : vector<512xf32> to vector<512x1xf32>
    %get3A_10 = arith.constant 0 : index
    %get3A_11 = arith.constant 0 : index
    %get3A_12 = vector.load %arg3[%get3A_10, %get3A_11] : memref<1x1296xf32, #tpu.memory_space<vmem>>, vector<1x1296xf32>
    %add3A = vector.broadcast %broadcast_in_dim3A : vector<512x1xf32> to vector<512x1296xf32>
    %add3A_13 = vector.broadcast %get3A_12 : vector<1x1296xf32> to vector<512x1296xf32>
    %add3A_14 = arith.addf %add3A, %add3A_13 : vector<512x1296xf32>
    %add3A_15 = arith.addf %add3A_14, %dot_general3A_7 : vector<512x1296xf32>
    %reduce_min3A = arith.constant dense<0x7F800000> : vector<512xf32>
    %reduce_min3A_16 = vector.multi_reduction <minimumf>, %add3A_15, %reduce_min3A [1] : vector<512x1296xf32> to vector<512xf32>
    %broadcast_in_dim3A_17 = vector.shape_cast %reduce_min3A_16 : vector<512xf32> to vector<512x1xf32>
    %iota3A = tpu.iota {dimensions = array<i32: 1>} : vector<512x1296xi32>
    %convert_element_type3A = arith.sitofp %iota3A : vector<512x1296xi32> to vector<512x1296xf32>
    %eq3A = vector.broadcast %broadcast_in_dim3A_17 : vector<512x1xf32> to vector<512x1296xf32>
    %eq3A_18 = arith.cmpf oeq, %add3A_15, %eq3A : vector<512x1296xf32>
    %jit3A = arith.constant 3.000000e+38 : f32
    %broadcast_in_dim3A_19 = vector.broadcast %jit3A : f32 to vector<512x1296xf32>
    %select_n3A = arith.select %eq3A_18, %convert_element_type3A, %broadcast_in_dim3A_19 : vector<512x1296xi1>, vector<512x1296xf32>
    %reduce_min3A_20 = arith.constant dense<0x7F800000> : vector<512xf32>
    %reduce_min3A_21 = vector.multi_reduction <minimumf>, %select_n3A, %reduce_min3A_20 [1] : vector<512x1296xf32> to vector<512xf32>
    %convert_element_type3A_22 = arith.fptosi %reduce_min3A_21 : vector<512xf32> to vector<512xi32>
    %swap3A = arith.constant 0 : index
    %swap3A_23 = arith.constant 0 : index
    %swap3A_24 = arith.constant 0 : index
    %swap3A_25 = vector.load %arg4[%swap3A, %swap3A_23, %swap3A_24] : memref<1x1x512xi32, #tpu.memory_space<vmem>>, vector<1x1x512xi32>
    %swap3A_26 = vector.shape_cast %swap3A_25 : vector<1x1x512xi32> to vector<512xi32>
    %swap3A_27 = vector.shape_cast %convert_element_type3A_22 : vector<512xi32> to vector<1x1x512xi32>
    tpu.vector_store %arg4[%swap3A, %swap3A_23, %swap3A_24], %swap3A_27 {strides = array<i32>} : memref<1x1x512xi32, #tpu.memory_space<vmem>>, vector<1x1x512xi32>,
    return
  }
  func.func @transform_0(%arg0: i32) -> (i32, i32) {
    %c0_i32 = arith.constant 0 : i32
    %c0_i32_0 = arith.constant 0 : i32
    return %arg0, %c0_i32 : i32, i32
  }
  func.func @transform_1(%arg0: i32) -> (i32, i32) {
    %c0_i32 = arith.constant 0 : i32
    %c0_i32_0 = arith.constant 0 : i32
    %c0_i32_1 = arith.constant 0 : i32
    return %c0_i32, %c0_i32_0 : i32, i32
  }
  func.func @transform_2(%arg0: i32) -> (i32, i32) {
    %c0_i32 = arith.constant 0 : i32
    %c0_i32_0 = arith.constant 0 : i32
    %c0_i32_1 = arith.constant 0 : i32
    return %c0_i32, %c0_i32_0 : i32, i32
  }
  func.func @transform_3(%arg0: i32) -> (i32, i32, i32) {
    %c0_i32 = arith.constant 0 : i32
    %c0_i32_0 = arith.constant 0 : i32
    %c0_i32_1 = arith.constant 0 : i32
    return %arg0, %c0_i32, %c0_i32_0 : i32, i32, i32
  }
}

</mosaic_0001>

<sc_bundles>
// kernel: kernel.4.cloned.1.call-start
scs
__scs_entry_jumppad:
0x0: {  	(pc) =	sbr.rel $0x88, $3  }
0x1: {  	(tag) =	ssettag $0x0;
	lr =	simm.s32 $0x1  }
0x2: {  	[smem:$0x3F9F] =	sst lr;
	_ =	strace $0xD0000000  }
0x3: {  	_ = 	snop  }
0x4: {  	_ = 	snop  }
0x5: {  	_ = 	snop  }
0x6: {  	_ = 	snop  }
0x7: {  	_ = 	snop  }
__scs_overlays_trampoline_lowered:
0x8: {  	[smem:$0x3FAE] =	sst s0  }
0x9: {  	[smem:$0x3FAF] =	sst s1  }
0xa: {  	[smem:$0x3FB0] =	sst s2  }
0xb: {  	[smem:$0x3FB1] =	sst s3  }
0xc: {  	[smem:$0x3FB2] =	sst s4  }
0xd: {  	[smem:$0x3FB3] =	sst s5  }
0xe: {  	[smem:$0x3FB4] =	sst s6  }
0xf: {  	[smem:$0x3FB5] =	sst s7  }
0x10: {  	[smem:$0x3FB6] =	sst s8  }
0x11: {  	[smem:$0x3FB7] =	sst s9;
	s0 =	simm.s32 @!p0 $0x0  }
0x12: {  	s1 =	sld [smem:$0x3F9D];
	s0 =	simm.s32 @p0 $0x1  }
0x13: {  	[smem:$0x3FB8] =	sst s0;
	s0 =	simm.s32 @!p1 $0x0  }
0x14: {  	s2 =	sld [smem:$0x3F9C];
	s0 =	simm.s32 @p1 $0x1  }
0x15: {  	[smem:$0x3FB9] =	sst s0;
	s0 =	simm.s32 @!p2 $0x0  }
0x16: {  	s3 =	sld [smem:$0x3FDB];
	s0 =	simm.s32 @p2 $0x1  }
0x17: {  	s4 =	simm.s32 $0x1BF5;
	[smem:$0x3FBB] =	sst s0  }
0x18: {  	s0 =	sld [smem:$0x3F9E];
	_ =	swait.ge [sflag:s4], $0x0  }
0x19: {  	s7 =	sld [smem:$0x3F9F]  }
0x1a: {  	s8 =	sadd.s32 $0xFFFFE003, lr  }
0x1b: {  	s9 =	sadd.s32 $0xFFFFFEF7, lr;
	s5 =	simm.s32 $0xFFFFFFFF;
	p2 =	slt.u32 s8, $0xFFFFF086  }
0x1c: {  	p1 =	slt.u32 s9, $0xF7A;
	s5 =	simm.s32 @!p2 $0x0  }
0x1d: {  	s5 =	simm.s32 @p1 $0x1;
	p0 =	seq.s32 s7, s2  }
0x1e: {  	s7 =	smul.u32 @!p0 $0xF7A, s2;
	p2 =	seq.s32 @!p0 s5, $0x0  }
0x1f: {  	s9 =	smul.u32 $0xF7A, s1;
	s8 =	simm.s32 @!p0 $0x1BF5;
	p2 =	por !p2, p0  }
0x20: {  	[sflag:s8] =	ssyncset.s32 @!p0 $0xFFFFF086;
	s6 =	sadd.s32 @!p0 s3, s7;
	s7 =	simm.s32 @!p0 $0x108  }
0x21: {  	s3 =	sadd.s32 s3, s9;
	s6 =	sadd.s32 @!p0 $0x88, s6;
	s7 =	simm.s32 @p2 $0x1082  }
0x22: {  	[simem:s7], [sflag:s8] =	dma.local @!p0 [hbm:s6], $0xF7A  }
0x23: {  	s9 =	sor.u32 $0xD0000000, s2;
	s6 =	simm.s32 $0x108;
	_ =	swait.ge @!p0 [sflag:s8], $0x0  }
0x24: {  	s3 =	sadd.s32 $0x88, s3;
	s6 =	simm.s32 @!p1 $0x1082;
	[sflag:s4] =	ssyncset.s32 $0xFFFFF086  }
0x25: {  	[simem:s6], [sflag:s4] =	dma.local [hbm:s3], $0xF7A  }
0x26: {  	[smem:$0x3F9F] =	sst s1;
	(tag) =	ssettag s2;
	_ =	strace s9  }
0x27: {  	s1 =	sld [smem:$0x3FAF]  }
0x28: {  	s2 =	sld [smem:$0x3FB0]  }
0x29: {  	s4 =	sld [smem:$0x3FB2]  }
0x2a: {  	p0 =	seq.s32 s5, $0x0;
	s5 =	sld [smem:$0x3FB3]  }
0x2b: {  	s6 =	sld [smem:$0x3FB4]  }
0x2c: {  	s7 =	sld [smem:$0x3FB5]  }
0x2d: {  	s3 =	simm.s32 $0x108;
	s8 =	sld [smem:$0x3FB6]  }
0x2e: {  	s3 =	simm.s32 @!p0 $0x1082;
	s9 =	sld [smem:$0x3FB7]  }
0x2f: {  	lr =	sadd.s32 s0, s3;
	s0 =	sld [smem:$0x3FAE]  }
0x30: {  	s3 =	sld [smem:$0x3FB1]  }
0x31: {  	[smem:$0x3FBA] =	sst s10  }
0x32: {  	s10 =	sld [smem:$0x3FB8];
	_ =	sdelay $0x3  }
0x33: {  	p0 =	seq.s32 s10, $0x1;
	s10 =	sld [smem:$0x3FBA];
	_ =	sdelay $0x3  }
0x34: {  	[smem:$0x3FBA] =	sst s10  }
0x35: {  	s10 =	sld [smem:$0x3FB9];
	_ =	sdelay $0x3  }
0x36: {  	p1 =	seq.s32 s10, $0x1;
	s10 =	sld [smem:$0x3FBA];
	_ =	sdelay $0x3  }
0x37: {  	[smem:$0x3FBA] =	sst s10  }
0x38: {  	s10 =	sld [smem:$0x3FBB]  }
0x39: {  	_ = 	snop;
	(pc) =	sbr.ind lr, $3  }
0x3a: {  	_ = 	snop  }
0x3b: {  	_ = 	snop  }
0x3c: {  	p2 =	seq.s32 s10, $0x1;
	s10 =	sld [smem:$0x3FBA]  }
0x3d: {  	_ =	shalt  }
0x3e: {  	_ =	shalt  }
0x3f: {  	_ =	shalt  }
0x40: {  	_ =	shalt  }
0x41: {  	_ =	shalt  }
0x42: {  	_ =	shalt  }
0x43: {  	_ =	shalt  }
0x44: {  	_ =	shalt  }
0x45: {  	_ =	shalt  }
0x46: {  	_ =	shalt  }
0x47: {  	_ =	shalt  }
0x48: {  	_ =	shalt  }
0x49: {  	_ =	shalt  }
0x4a: {  	_ =	shalt  }
0x4b: {  	_ =	shalt  }
0x4c: {  	_ =	shalt  }
0x4d: {  	_ =	shalt  }
0x4e: {  	_ =	shalt  }
0x4f: {  	_ =	shalt  }
0x50: {  	_ =	shalt  }
0x51: {  	_ =	shalt  }
0x52: {  	_ =	shalt  }
0x53: {  	_ =	shalt  }
0x54: {  	_ =	shalt  }
0x55: {  	_ =	shalt  }
0x56: {  	_ =	shalt  }
0x57: {  	_ =	shalt  }
0x58: {  	_ =	shalt  }
0x59: {  	_ =	shalt  }
0x5a: {  	_ =	shalt  }
0x5b: {  	_ =	shalt  }
0x5c: {  	_ =	shalt  }
0x5d: {  	_ =	shalt  }
0x5e: {  	_ =	shalt  }
0x5f: {  	_ =	shalt  }
0x60: {  	_ =	shalt  }
0x61: {  	_ =	shalt  }
0x62: {  	_ =	shalt  }
0x63: {  	_ =	shalt  }
0x64: {  	_ =	shalt  }
0x65: {  	_ =	shalt  }
0x66: {  	_ =	shalt  }
0x67: {  	_ =	shalt  }
0x68: {  	_ =	shalt  }
0x69: {  	_ =	shalt  }
0x6a: {  	_ =	shalt  }
0x6b: {  	_ =	shalt  }
0x6c: {  	_ =	shalt  }
0x6d: {  	_ =	shalt  }
0x6e: {  	_ =	shalt  }
0x6f: {  	_ =	shalt  }
0x70: {  	_ =	shalt  }
0x71: {  	_ =	shalt  }
0x72: {  	_ =	shalt  }
0x73: {  	_ =	shalt  }
0x74: {  	_ =	shalt  }
0x75: {  	_ =	shalt  }
0x76: {  	_ =	shalt  }
0x77: {  	_ =	shalt  }
0x78: {  	_ =	shalt  }
0x79: {  	_ =	shalt  }
0x7a: {  	_ =	shalt  }
0x7b: {  	_ =	shalt  }
0x7c: {  	_ =	shalt  }
0x7d: {  	_ =	shalt  }
0x7e: {  	_ =	shalt  }
0x7f: {  	_ =	shalt  }
0x80: {  	_ =	shalt  }
0x81: {  	_ =	shalt  }
0x82: {  	_ =	shalt  }
0x83: {  	_ =	shalt  }
0x84: {  	_ =	shalt  }
0x85: {  	_ =	shalt  }
0x86: {  	_ =	shalt  }
0x87: {  	_ =	shalt  }
.Lfunc_end0:
.L_simem_size_0:
called_computation_lowered:
.L_overlay_start_0:
0x88: {  	s2 =	sld [smem:$0x3FD9]  }
0x89: {  	s3 =	sld [smem:$0x3FFE];
	_ =	sdelay $0x1  }
0x8a: {  	s1 =	srdreg.scid  }
0x8b: {  	s0 =	sand.u32 $0x1, s1  }
0x8c: {  	s14 =	sshll.u32 s0, $0xA;
	s2 =	sadd.s32 s3, s2  }
0x8d: {  	s2 =	sadd.s32 s2, s14  }
0x8e: {  	[smem:$0x3FC6] =	sst s2  }
0x8f: {  	_ = 	snop  }
0x90: {  	s2 =	sld [smem:$0x3FD0];
	_ =	sdelay $0x2  }
0x91: {  	s4 =	simm.s32 $0xA;
	s5 =	simm.s32 $0x10;
	s15 =	sld [smem:$0x3FC8]  }
0x92: {  	[smem:s5], [sflag:s4] =	dma.local [hbm:s2], $0x1  }
0x93: {  	_ =	swait.eq [sflag:s4], $0x1  }
0x94: {  	[sflag:s4] =	ssyncset.done $0x0  }
0x95: {  	[sflag:s4] =	ssyncadd.s32 $0xFFFFFFFF  }
0x96: {  	s16 =	sld [smem:$0x11];
	(tm) =	ssettm $0x1  }
0x97: {  	s17 =	sld [smem:$0x3FFB];
	_ =	sdelay $0x3  }
0x98: {  	_ =	strace s17  }
0x99: {  	s4 =	sld [smem:$0x3FFC];
	_ =	sdelay $0x3  }
0x9a: {  	_ =	strace s4  }
0x9b: {  	s4 =	sld [smem:$0x3FFD];
	_ =	sdelay $0x3  }
0x9c: {  	_ =	strace s4  }
0x9d: {  	_ =	strace $0x8FFFFFFF  }
0x9e: {  	s18 =	sld [smem:$0x3FDB];
	_ =	sdelay $0x1  }
0x9f: {  	s19 =	simm.s32 $_scs_section_size  }
0xa0: {  	s6 =	simm.s32 $_size__tile_overlayer_lowered;
	s7 =	simm.s32 $_tile_overlayer_lowered  }
0xa1: {  	s22 =	simm.s32 $0x1BFF;
	s21 =	sshll.u32 s7, $0x1;
	s4 =	sadd.s32 s19, s18  }
0xa2: {  	s8 =	simm.s32 $0x0;
	s20 =	sshll.u32 s6, $0x1;
	s6 =	sadd.s32 s21, s4  }
0xa3: {  	[timem:s8], [sflag:s22] =	dma.local [hbm:s6], s20  }
0xa4: {  	_ =	swait.ge [sflag:s22], s20  }
0xa5: {  	s5 =	ssub.s32 $0x0, s20;
	[sflag:s22] =	ssyncset.done $0x0  }
0xa6: {  	[sflag:s22] =	ssyncadd.s32 s5;
	_ =	sdelay $0x1  }
0xa7: {  	s23 =	simm.s32 $0x1B8B  }
0xa8: {  	_ =	swait.ge [sflag:s23], $0x1  }
0xa9: {  	[sflag:s23] =	ssyncset.done $0x0  }
0xaa: {  	s25 =	simm.s32 $0x1B8E;
	s24 =	sld [smem:$0x3FFE];
	[sflag:s23] =	ssyncadd.s32 $0xFFFFFFFF  }
0xab: {  	s26 =	simm.s32 $execute0_lowered;
	[smem:$0x3FD2] =	sst s25  }
0xac: {  	s6 =	sshll.u32 s26, $0x1;
	_ =	strace $0x80000046;
	[dreg:$0x1] =	wrdreg $0xFFFFFFFF  }
0xad: {  	s28 =	simm.s32 $_size_execute0_lowered;
	s4 =	sadd.s32 s4, s6;
	[dreg:$0x0] =	wrdreg $0x0  }
0xae: {  	s6 =	sshll.u32 s28, $0x1;
	[dreg:$0x2] =	wrdreg s4  }
0xaf: {  	[dreg:$0x3] =	wrdreg s6  }
0xb0: {  	[dreg:$0x4] =	wrdreg $0xC0  }
0xb1: {  	_ =	task [dreg:s8], $0x5FFFF  }
0xb2: {  	[dreg:$0x1] =	wrdreg $0xFFFFFFFF  }
0xb3: {  	[dreg:$0x0] =	wrdreg $0x60  }
0xb4: {  	[dreg:$0x2] =	wrdreg s15  }
0xb5: {  	[dreg:$0x3] =	wrdreg s24  }
0xb6: {  	[dreg:$0x4] =	wrdreg s16  }
0xb7: {  	[dreg:$0x5] =	wrdreg $0x9  }
0xb8: {  	_ =	task.clear_ibuf [dreg:s8], $0x6FFFF;
	_ =	strace $0x90000046  }
0xb9: {  	s29 =	simm.s32 $0x9;
	_ =	strace $0x80000048  }
0xba: {  	_ =	swait.ge [sflag:s29], $0x1  }
0xbb: {  	[sflag:s29] =	ssyncadd.s32 $0xFFFFFFFF  }
0xbc: {  	_ =	strace $0x90000048  }
0xbd: {  	_ =	sfence  }
0xbe: {  	s30 =	sld [smem:$0x0];
	_ =	sdelay $0x2  }
0xbf: {  	s31 =	sshll.u32 s1, $0xD;
	s1 =	sshrl.u32 s1, $0x2  }
0xc0: {  	s3 =	sand.u32 $0x4000, s31;
	s1 =	sadd.s32 s1, s30  }
0xc1: {  	s0 =	sor.u32 s3, s0;
	s1 =	sshll.u32 s1, $0x11  }
0xc2: {  	s0 =	sor.u32 s1, s0  }
0xc3: {  	s0 =	sadd.s32 $0x8F2B, s0  }
0xc4: {  	[sflag:s0] =	ssyncadd.remote.s32 $0x1  }
0xc5: {  	_ =	sfence.sel $0xFFFF  }
0xc6: {  	[dreg:$0x0] =	wrdreg $0xFFFFFFFF;
	(pc) =	sbr.abs _section_cstart, $3  }
0xc7: {  	[dreg:$0x1] =	wrdreg $0xFFFFFFFF  }
0xc8: {  	_ =	task.clear_ibuf [dreg:s8], $0x2FFFF;
	_ =	strace $0x9FFFFFFF  }
0xc9: {  	(tm) =	ssettm $0x7FFFFFFF  }
tec
execute0_lowered:
.L_overlay_start_1:
0x0: {  	(tag) =	ssettag $0x1  }
0x1: {  	s1 =	rddreg [dreg:$0x0]  }
0x2: {  	s0 =	rddreg [dreg:$0x1]  }
0x3: {  	s2 =	rddreg [dreg:$0x2]  }
0x4: {  	s3 =	srdreg.scid;
	s5 =	stileid.u32;
	s14 =	simm.s32 $0x2  }
0x5: {  	s28 =	simm.s32 $0x3900;
	s29 =	simm.s32 $0x4100;
	s30 =	simm.s32 $0x4900  }
0x6: {  	s31 =	simm.s32 $0x5100;
	s9 =	simm.s32 $0x7900;
	s10 =	simm.s32 $0x80  }
0x7: {  	s11 =	simm.s32 $0x9100;
	s12 =	simm.s32 $0x9900;
	s13 =	simm.s32 $0xA100  }
0x8: {  	s4 =	sand.u32 $0x1, s3;
	s3 =	simm.s32 $0x0;
	s5 =	sshll.u32 s5, $0xA  }
0x9: {  	s0 =	sadd.s32 $0x200, s0;
	s6 =	sshll.u32 s4, $0x9;
	[smem:$0x7FF] =	sst s3  }
0xa: {  	s4 =	ssub.s32 $0x2, s4;
	s5 =	sor.u32 s6, s5;
	_ =	strace $0x80000047  }
0xb: {  	s24 =	sshrl.u32 s4, $0x1;
	s6 =	sshrl.u32 s5, $0x3;
	s7 =	sshll.u32 s5, $0x5  }
0xc: {  	s8 =	sor.u32 $0x80, s5;
	s20 =	sor.u32 $0x100, s5;
	s5 =	sor.u32 $0x180, s5  }
0xd: {  	s26 =	ssub.s32 s4, s24;
	s24 =	simm.s32 $0x100;
	s6 =	sadd.s32 s0, s6  }
0xe: {  	s15 =	sadd.s32 s2, s7;
	s16 =	sshrl.u32 s8, $0x3;
	s18 =	sshll.u32 s8, $0x5  }
0xf: {  	s21 =	sshrl.u32 s20, $0x3;
	s7 =	sshll.u32 s20, $0x5;
	s23 =	sshrl.u32 s5, $0x3  }
0x10: {  	s5 =	sshll.u32 s5, $0x5;
	s4 =	smax.u32 s26, $0x1;
	s20 =	simm.s32 $0x1100  }
0x11: {  	s26 =	simm.s32 $0x3100;
	s8 =	simm.s32 $0x7100;
	[dreg:$0x4] =	wrdreg s6  }
0x12: {  	[dreg:$0x5] =	wrdreg s15;
	s17 =	sadd.s32 s0, s16;
	s19 =	sadd.s32 s2, s18  }
0x13: {  	s6 =	sadd.s32 s0, s21;
	s22 =	sadd.s32 s2, s7;
	[dreg:$0x6] =	wrdreg s17  }
0x14: {  	s0 =	sadd.s32 s0, s23;
	s25 =	sadd.s32 s2, s5;
	[dreg:$0x7] =	wrdreg s19  }
0x15: {  	s5 =	simm.s32 $0x5;
	s15 =	simm.s32 $0x3;
	[dreg:$0x8] =	wrdreg s6  }
0x16: {  	s16 =	simm.s32 $0x4;
	s21 =	simm.s32 $0x1900;
	[dreg:$0x9] =	wrdreg s22  }
0x17: {  	v2 =	vlaneseq.u32;
	s23 =	simm.s32 $0x2100;
	s2 =	simm.s32 $0x6100;
	[dreg:$0xa] =	wrdreg s0  }
0x18: {  	vm0 =	vmmov $0xffff;
	v1 =	vshrl.u32 v2, $0x3;
	s7 =	simm.s32 $0x6900;
	[dreg:$0xb] =	wrdreg s25;
	s19 =	simm.s32 $0x900  }
0x19: {  	v0 =	vand.u32 $0x7, v2;
	v2 =	vor.u32 $0x8, v2;
	v1 =	vmul.u32 $0x8, v1;
	s25 =	simm.s32 $0x2900;
	s6 =	simm.s32 $0x5900;
	s22 =	simm.s32 $0x8100  }
.LBB2_1:
0x1a: {  	s17 =	rddreg [dreg:$0x4]  }
0x1b: {  	[tilespmem:s3], [sflag:$0x5] =	stream.linear.gather [hbm4b:s17+s3], $0x80, $0x38;
	[tilespmem:$0x10100] =	vst v63  }
0x1c: {  	_ =	swait.ge [sflag:s5], $0x80  }
0x1d: {  	[sflag:s5] =	ssyncset.done $0x0  }
0x1e: {  	[sflag:s5] =	ssyncadd.s32 $0xFFFFFF80  }
0x1f: {  	v3 =	vld [tilespmem:$0x0];
	_ =	sdelay $0x4  }
0x20: {  	v4 =	vshll.u32 v3, $0x1  }
0x21: {  	v3 =	vand.u32 $0x7, v3;
	v4 =	vand.u32 $0xFFFFFFF0, v4  }
0x22: {  	v3 =	vor.u32 v3, v4  }
0x23: {  	v4 =	vperm.xlane v3, v0;
	_ =	sdelay $0x1  }
0x24: {  	v3 =	vperm.xlane v3, v2;
	v4 =	vadd.s32 v1, v4;
	_ =	sdelay $0x1  }
0x25: {  	v3 =	vadd.s32 v1, v3;
	_ =	sdelay $0x2  }
0x26: {  	[tilespmem:s24], [sflag:$0x1] =	stream.indirect_vreg.gather [hbm4b:s1+s3], $0x80, v4, vm0, $0xb8;
	[tilespmem:$0x10100] =	vst v63  }
0x27: {  	_ = 	snop  }
0x28: {  	[tilespmem:s19], [sflag:$0x1] =	stream.indirect_vreg.gather [hbm4b:s1+s3], $0x80, v3, vm0, $0xb8;
	[tilespmem:$0x10100] =	vst v63  }
0x29: {  	v3 =	vld [tilespmem:$0x10];
	_ =	sdelay $0x4  }
0x2a: {  	v33 =	vshll.u32 v3, $0x1  }
0x2b: {  	v3 =	vand.u32 $0x7, v3;
	v4 =	vand.u32 $0xFFFFFFF0, v33  }
0x2c: {  	v3 =	vor.u32 v3, v4  }
0x2d: {  	v4 =	vperm.xlane v3, v0;
	_ =	sdelay $0x1  }
0x2e: {  	v3 =	vperm.xlane v3, v2;
	v4 =	vadd.s32 v1, v4;
	_ =	sdelay $0x1  }
0x2f: {  	v3 =	vadd.s32 v1, v3;
	_ =	sdelay $0x2  }
0x30: {  	[tilespmem:s20], [sflag:$0x1] =	stream.indirect_vreg.gather [hbm4b:s1+s3], $0x80, v4, vm0, $0xb8;
	[tilespmem:$0x10100] =	vst v63  }
0x31: {  	_ = 	snop  }
0x32: {  	[tilespmem:s21], [sflag:$0x1] =	stream.indirect_vreg.gather [hbm4b:s1+s3], $0x80, v3, vm0, $0xb8;
	[tilespmem:$0x10100] =	vst v63  }
0x33: {  	v3 =	vld [tilespmem:$0x20];
	_ =	sdelay $0x4  }
0x34: {  	v34 =	vshll.u32 v3, $0x1  }
0x35: {  	v3 =	vand.u32 $0x7, v3;
	v4 =	vand.u32 $0xFFFFFFF0, v34  }
0x36: {  	v3 =	vor.u32 v3, v4  }
0x37: {  	v4 =	vperm.xlane v3, v0;
	_ =	sdelay $0x1  }
0x38: {  	v3 =	vperm.xlane v3, v2;
	v4 =	vadd.s32 v1, v4;
	_ =	sdelay $0x1  }
0x39: {  	v3 =	vadd.s32 v1, v3;
	_ =	sdelay $0x2  }
0x3a: {  	[tilespmem:s23], [sflag:$0x1] =	stream.indirect_vreg.gather [hbm4b:s1+s3], $0x80, v4, vm0, $0xb8;
	[tilespmem:$0x10100] =	vst v63  }
0x3b: {  	_ = 	snop  }
0x3c: {  	[tilespmem:s25], [sflag:$0x1] =	stream.indirect_vreg.gather [hbm4b:s1+s3], $0x80, v3, vm0, $0xb8;
	[tilespmem:$0x10100] =	vst v63  }
0x3d: {  	v3 =	vld [tilespmem:$0x30];
	_ =	sdelay $0x4  }
0x3e: {  	v35 =	vshll.u32 v3, $0x1  }
0x3f: {  	v3 =	vand.u32 $0x7, v3;
	v4 =	vand.u32 $0xFFFFFFF0, v35  }
0x40: {  	v3 =	vor.u32 v3, v4  }
0x41: {  	v4 =	vperm.xlane v3, v0;
	_ =	sdelay $0x1  }
0x42: {  	v3 =	vperm.xlane v3, v2;
	v4 =	vadd.s32 v1, v4;
	_ =	sdelay $0x1  }
0x43: {  	v3 =	vadd.s32 v1, v3;
	_ =	sdelay $0x2  }
0x44: {  	[tilespmem:s26], [sflag:$0x1] =	stream.indirect_vreg.gather [hbm4b:s1+s3], $0x80, v4, vm0, $0xb8;
	[tilespmem:$0x10100] =	vst v63  }
0x45: {  	_ = 	snop  }
0x46: {  	[tilespmem:s28], [sflag:$0x1] =	stream.indirect_vreg.gather [hbm4b:s1+s3], $0x80, v3, vm0, $0xb8;
	[tilespmem:$0x10100] =	vst v63  }
0x47: {  	v3 =	vld [tilespmem:$0x40];
	_ =	sdelay $0x4  }
0x48: {  	v36 =	vshll.u32 v3, $0x1  }
0x49: {  	v3 =	vand.u32 $0x7, v3;
	v4 =	vand.u32 $0xFFFFFFF0, v36  }
0x4a: {  	v3 =	vor.u32 v3, v4  }
0x4b: {  	v4 =	vperm.xlane v3, v0;
	_ =	sdelay $0x1  }
0x4c: {  	v3 =	vperm.xlane v3, v2;
	v4 =	vadd.s32 v1, v4;
	_ =	sdelay $0x1  }
0x4d: {  	v3 =	vadd.s32 v1, v3;
	_ =	sdelay $0x2  }
0x4e: {  	[tilespmem:s29], [sflag:$0x1] =	stream.indirect_vreg.gather [hbm4b:s1+s3], $0x80, v4, vm0, $0xb8;
	[tilespmem:$0x10100] =	vst v63  }
0x4f: {  	_ = 	snop  }
0x50: {  	[tilespmem:s30], [sflag:$0x1] =	stream.indirect_vreg.gather [hbm4b:s1+s3], $0x80, v3, vm0, $0xb8;
	[tilespmem:$0x10100] =	vst v63  }
0x51: {  	v3 =	vld [tilespmem:$0x50];
	_ =	sdelay $0x4  }
0x52: {  	v37 =	vshll.u32 v3, $0x1  }
0x53: {  	v3 =	vand.u32 $0x7, v3;
	v4 =	vand.u32 $0xFFFFFFF0, v37  }
0x54: {  	v3 =	vor.u32 v3, v4  }
0x55: {  	v4 =	vperm.xlane v3, v0;
	_ =	sdelay $0x1  }
0x56: {  	v3 =	vperm.xlane v3, v2;
	v4 =	vadd.s32 v1, v4;
	_ =	sdelay $0x1  }
0x57: {  	v3 =	vadd.s32 v1, v3;
	_ =	sdelay $0x2  }
0x58: {  	[tilespmem:s31], [sflag:$0x1] =	stream.indirect_vreg.gather [hbm4b:s1+s3], $0x80, v4, vm0, $0xb8;
	[tilespmem:$0x10100] =	vst v63  }
0x59: {  	_ = 	snop  }
0x5a: {  	[tilespmem:s6], [sflag:$0x1] =	stream.indirect_vreg.gather [hbm4b:s1+s3], $0x80, v3, vm0, $0xb8;
	[tilespmem:$0x10100] =	vst v63  }
0x5b: {  	v3 =	vld [tilespmem:$0x60];
	_ =	sdelay $0x4  }
0x5c: {  	v38 =	vshll.u32 v3, $0x1  }
0x5d: {  	v3 =	vand.u32 $0x7, v3;
	v4 =	vand.u32 $0xFFFFFFF0, v38  }
0x5e: {  	v3 =	vor.u32 v3, v4  }
0x5f: {  	v4 =	vperm.xlane v3, v0;
	_ =	sdelay $0x1  }
0x60: {  	v3 =	vperm.xlane v3, v2;
	v4 =	vadd.s32 v1, v4;
	_ =	sdelay $0x1  }
0x61: {  	v3 =	vadd.s32 v1, v3;
	_ =	sdelay $0x2  }
0x62: {  	[tilespmem:s2], [sflag:$0x1] =	stream.indirect_vreg.gather [hbm4b:s1+s3], $0x80, v4, vm0, $0xb8;
	[tilespmem:$0x10100] =	vst v63  }
0x63: {  	_ = 	snop  }
0x64: {  	[tilespmem:s7], [sflag:$0x1] =	stream.indirect_vreg.gather [hbm4b:s1+s3], $0x80, v3, vm0, $0xb8;
	[tilespmem:$0x10100] =	vst v63  }
0x65: {  	v3 =	vld [tilespmem:$0x70];
	_ =	sdelay $0x4  }
0x66: {  	v39 =	vshll.u32 v3, $0x1  }
0x67: {  	v3 =	vand.u32 $0x7, v3;
	v4 =	vand.u32 $0xFFFFFFF0, v39  }
0x68: {  	v3 =	vor.u32 v3, v4  }
0x69: {  	v4 =	vperm.xlane v3, v0;
	_ =	sdelay $0x1  }
0x6a: {  	v3 =	vperm.xlane v3, v2;
	v4 =	vadd.s32 v1, v4;
	_ =	sdelay $0x1  }
0x6b: {  	v3 =	vadd.s32 v1, v3;
	_ =	sdelay $0x2  }
0x6c: {  	[tilespmem:s8], [sflag:$0x1] =	stream.indirect_vreg.gather [hbm4b:s1+s3], $0x80, v4, vm0, $0xb8;
	[tilespmem:$0x10100] =	vst v63  }
0x6d: {  	s0 =	simm.s32 $0x1  }
0x6e: {  	[tilespmem:s9], [sflag:$0x1] =	stream.indirect_vreg.gather [hbm4b:s1+s3], $0x80, v3, vm0, $0xb8;
	[tilespmem:$0x10100] =	vst v63  }
0x6f: {  	_ =	swait.ge [sflag:s0], $0x8000  }
0x70: {  	[sflag:s0] =	ssyncset.done $0x0  }
0x71: {  	s17 =	rddreg [dreg:$0x5];
	[sflag:s0] =	ssyncadd.s32 $0xFFFF8000  }
0x72: {  	[hbm4b:s17+s3] =	stream.linear.scatter [tilespmem:s24], [sflag:$0x3], $0x8000, $0x38;
	[tilespmem:$0x10100] =	vst v63  }
0x73: {  	s18 =	rddreg [dreg:$0x6]  }
0x74: {  	[tilespmem:s10], [sflag:$0x5] =	stream.linear.gather [hbm4b:s18+s3], $0x80, $0x38;
	[tilespmem:$0x10100] =	vst v63  }
0x75: {  	_ =	swait.ge [sflag:s5], $0x80  }
0x76: {  	[sflag:s5] =	ssyncset.done $0x0  }
0x77: {  	[sflag:s5] =	ssyncadd.s32 $0xFFFFFF80  }
0x78: {  	v3 =	vld [tilespmem:$0x80];
	_ =	sdelay $0x4  }
0x79: {  	v40 =	vshll.u32 v3, $0x1  }
0x7a: {  	v3 =	vand.u32 $0x7, v3;
	v4 =	vand.u32 $0xFFFFFFF0, v40  }
0x7b: {  	v3 =	vor.u32 v3, v4  }
0x7c: {  	v4 =	vperm.xlane v3, v0;
	_ =	sdelay $0x1  }
0x7d: {  	v3 =	vperm.xlane v3, v2;
	v4 =	vadd.s32 v1, v4;
	_ =	sdelay $0x1  }
0x7e: {  	v3 =	vadd.s32 v1, v3;
	_ =	sdelay $0x2  }
0x7f: {  	[tilespmem:s22], [sflag:$0x2] =	stream.indirect_vreg.gather [hbm4b:s1+s3], $0x80, v4, vm0, $0xb8;
	[tilespmem:$0x10100] =	vst v63  }
0x80: {  	s18 =	simm.s32 $0x8900  }
0x81: {  	[tilespmem:s18], [sflag:$0x2] =	stream.indirect_vreg.gather [hbm4b:s1+s3], $0x80, v3, vm0, $0xb8;
	[tilespmem:$0x10100] =	vst v63  }
0x82: {  	v3 =	vld [tilespmem:$0x90];
	_ =	sdelay $0x4  }
0x83: {  	v41 =	vshll.u32 v3, $0x1  }
0x84: {  	v3 =	vand.u32 $0x7, v3;
	v4 =	vand.u32 $0xFFFFFFF0, v41  }
0x85: {  	v3 =	vor.u32 v3, v4  }
0x86: {  	v4 =	vperm.xlane v3, v0;
	_ =	sdelay $0x1  }
0x87: {  	v3 =	vperm.xlane v3, v2;
	v4 =	vadd.s32 v1, v4;
	_ =	sdelay $0x1  }
0x88: {  	v3 =	vadd.s32 v1, v3;
	_ =	sdelay $0x2  }
0x89: {  	[tilespmem:s11], [sflag:$0x2] =	stream.indirect_vreg.gather [hbm4b:s1+s3], $0x80, v4, vm0, $0xb8;
	[tilespmem:$0x10100] =	vst v63  }
0x8a: {  	_ = 	snop  }
0x8b: {  	[tilespmem:s12], [sflag:$0x2] =	stream.indirect_vreg.gather [hbm4b:s1+s3], $0x80, v3, vm0, $0xb8;
	[tilespmem:$0x10100] =	vst v63  }
0x8c: {  	v3 =	vld [tilespmem:$0xA0];
	_ =	sdelay $0x4  }
0x8d: {  	v42 =	vshll.u32 v3, $0x1  }
0x8e: {  	v3 =	vand.u32 $0x7, v3;
	v4 =	vand.u32 $0xFFFFFFF0, v42  }
0x8f: {  	v3 =	vor.u32 v3, v4  }
0x90: {  	v4 =	vperm.xlane v3, v0;
	_ =	sdelay $0x1  }
0x91: {  	v3 =	vperm.xlane v3, v2;
	v4 =	vadd.s32 v1, v4;
	_ =	sdelay $0x1  }
0x92: {  	v3 =	vadd.s32 v1, v3;
	_ =	sdelay $0x2  }
0x93: {  	[tilespmem:s13], [sflag:$0x2] =	stream.indirect_vreg.gather [hbm4b:s1+s3], $0x80, v4, vm0, $0xb8;
	[tilespmem:$0x10100] =	vst v63  }
0x94: {  	s17 =	simm.s32 $0xA900  }
0x95: {  	[tilespmem:s17], [sflag:$0x2] =	stream.indirect_vreg.gather [hbm4b:s1+s3], $0x80, v3, vm0, $0xb8;
	[tilespmem:$0x10100] =	vst v63  }
0x96: {  	v3 =	vld [tilespmem:$0xB0];
	_ =	sdelay $0x4  }
0x97: {  	v43 =	vshll.u32 v3, $0x1  }
0x98: {  	v3 =	vand.u32 $0x7, v3;
	v4 =	vand.u32 $0xFFFFFFF0, v43  }
0x99: {  	v3 =	vor.u32 v3, v4  }
0x9a: {  	v4 =	vperm.xlane v3, v0;
	_ =	sdelay $0x1  }
0x9b: {  	v3 =	vperm.xlane v3, v2;
	v4 =	vadd.s32 v1, v4;
	_ =	sdelay $0x1  }
0x9c: {  	v3 =	vadd.s32 v1, v3;
	_ =	sdelay $0x1  }
0x9d: {  	s17 =	simm.s32 $0xB100  }
0x9e: {  	[tilespmem:s17], [sflag:$0x2] =	stream.indirect_vreg.gather [hbm4b:s1+s3], $0x80, v4, vm0, $0xb8;
	[tilespmem:$0x10100] =	vst v63  }
0x9f: {  	s17 =	simm.s32 $0xB900  }
0xa0: {  	[tilespmem:s17], [sflag:$0x2] =	stream.indirect_vreg.gather [hbm4b:s1+s3], $0x80, v3, vm0, $0xb8;
	[tilespmem:$0x10100] =	vst v63  }
0xa1: {  	v3 =	vld [tilespmem:$0xC0];
	_ =	sdelay $0x4  }
0xa2: {  	v44 =	vshll.u32 v3, $0x1  }
0xa3: {  	v3 =	vand.u32 $0x7, v3;
	v4 =	vand.u32 $0xFFFFFFF0, v44  }
0xa4: {  	v3 =	vor.u32 v3, v4  }
0xa5: {  	v4 =	vperm.xlane v3, v0;
	_ =	sdelay $0x1  }
0xa6: {  	v3 =	vperm.xlane v3, v2;
	v4 =	vadd.s32 v1, v4;
	_ =	sdelay $0x1  }
0xa7: {  	v3 =	vadd.s32 v1, v3;
	_ =	sdelay $0x1  }
0xa8: {  	s17 =	simm.s32 $0xC100  }
0xa9: {  	[tilespmem:s17], [sflag:$0x2] =	stream.indirect_vreg.gather [hbm4b:s1+s3], $0x80, v4, vm0, $0xb8;
	[tilespmem:$0x10100] =	vst v63  }
0xaa: {  	s17 =	simm.s32 $0xC900  }
0xab: {  	[tilespmem:s17], [sflag:$0x2] =	stream.indirect_vreg.gather [hbm4b:s1+s3], $0x80, v3, vm0, $0xb8;
	[tilespmem:$0x10100] =	vst v63  }
0xac: {  	v3 =	vld [tilespmem:$0xD0];
	_ =	sdelay $0x4  }
0xad: {  	v45 =	vshll.u32 v3, $0x1  }
0xae: {  	v3 =	vand.u32 $0x7, v3;
	v4 =	vand.u32 $0xFFFFFFF0, v45  }
0xaf: {  	v3 =	vor.u32 v3, v4  }
0xb0: {  	v4 =	vperm.xlane v3, v0;
	_ =	sdelay $0x1  }
0xb1: {  	v3 =	vperm.xlane v3, v2;
	v4 =	vadd.s32 v1, v4;
	_ =	sdelay $0x1  }
0xb2: {  	v3 =	vadd.s32 v1, v3;
	_ =	sdelay $0x1  }
0xb3: {  	s17 =	simm.s32 $0xD100  }
0xb4: {  	[tilespmem:s17], [sflag:$0x2] =	stream.indirect_vreg.gather [hbm4b:s1+s3], $0x80, v4, vm0, $0xb8;
	[tilespmem:$0x10100] =	vst v63  }
0xb5: {  	s17 =	simm.s32 $0xD900  }
0xb6: {  	[tilespmem:s17], [sflag:$0x2] =	stream.indirect_vreg.gather [hbm4b:s1+s3], $0x80, v3, vm0, $0xb8;
	[tilespmem:$0x10100] =	vst v63  }
0xb7: {  	v3 =	vld [tilespmem:$0xE0];
	_ =	sdelay $0x4  }
0xb8: {  	v46 =	vshll.u32 v3, $0x1  }
0xb9: {  	v3 =	vand.u32 $0x7, v3;
	v4 =	vand.u32 $0xFFFFFFF0, v46  }
0xba: {  	v3 =	vor.u32 v3, v4  }
0xbb: {  	v4 =	vperm.xlane v3, v0;
	_ =	sdelay $0x1  }
0xbc: {  	v3 =	vperm.xlane v3, v2;
	v4 =	vadd.s32 v1, v4;
	_ =	sdelay $0x1  }
0xbd: {  	v3 =	vadd.s32 v1, v3;
	_ =	sdelay $0x1  }
0xbe: {  	s17 =	simm.s32 $0xE100  }
0xbf: {  	[tilespmem:s17], [sflag:$0x2] =	stream.indirect_vreg.gather [hbm4b:s1+s3], $0x80, v4, vm0, $0xb8;
	[tilespmem:$0x10100] =	vst v63  }
0xc0: {  	s17 =	simm.s32 $0xE900  }
0xc1: {  	[tilespmem:s17], [sflag:$0x2] =	stream.indirect_vreg.gather [hbm4b:s1+s3], $0x80, v3, vm0, $0xb8;
	[tilespmem:$0x10100] =	vst v63  }
0xc2: {  	v3 =	vld [tilespmem:$0xF0];
	_ =	sdelay $0x4  }
0xc3: {  	v47 =	vshll.u32 v3, $0x1  }
0xc4: {  	v3 =	vand.u32 $0x7, v3;
	v4 =	vand.u32 $0xFFFFFFF0, v47  }
0xc5: {  	v3 =	vor.u32 v3, v4  }
0xc6: {  	v4 =	vperm.xlane v3, v0;
	_ =	sdelay $0x1  }
0xc7: {  	v3 =	vperm.xlane v3, v2;
	v4 =	vadd.s32 v1, v4;
	_ =	sdelay $0x1  }
0xc8: {  	v3 =	vadd.s32 v1, v3;
	_ =	sdelay $0x1  }
0xc9: {  	s17 =	simm.s32 $0xF100  }
0xca: {  	[tilespmem:s17], [sflag:$0x2] =	stream.indirect_vreg.gather [hbm4b:s1+s3], $0x80, v4, vm0, $0xb8;
	[tilespmem:$0x10100] =	vst v63  }
0xcb: {  	s17 =	simm.s32 $0xF900  }
0xcc: {  	[tilespmem:s17], [sflag:$0x2] =	stream.indirect_vreg.gather [hbm4b:s1+s3], $0x80, v3, vm0, $0xb8;
	[tilespmem:$0x10100] =	vst v63  }
0xcd: {  	_ =	swait.ge [sflag:s14], $0x8000  }
0xce: {  	[sflag:s14] =	ssyncset.done $0x0  }
0xcf: {  	s17 =	rddreg [dreg:$0x7];
	[sflag:s14] =	ssyncadd.s32 $0xFFFF8000  }
0xd0: {  	[hbm4b:s17+s3] =	stream.linear.scatter [tilespmem:s22], [sflag:$0x4], $0x8000, $0x38;
	[tilespmem:$0x10100] =	vst v63  }
0xd1: {  	_ =	swait.ge [sflag:s15], $0x8000  }
0xd2: {  	[sflag:s15] =	ssyncset.done $0x0  }
0xd3: {  	s17 =	rddreg [dreg:$0x8];
	[sflag:s15] =	ssyncadd.s32 $0xFFFF8000  }
0xd4: {  	[tilespmem:s3], [sflag:$0x5] =	stream.linear.gather [hbm4b:s17+s3], $0x80, $0x38;
	[tilespmem:$0x10100] =	vst v63  }
0xd5: {  	_ =	swait.ge [sflag:s5], $0x80  }
0xd6: {  	[sflag:s5] =	ssyncset.done $0x0  }
0xd7: {  	[sflag:s5] =	ssyncadd.s32 $0xFFFFFF80  }
0xd8: {  	v3 =	vld [tilespmem:$0x0];
	_ =	sdelay $0x4  }
0xd9: {  	v48 =	vshll.u32 v3, $0x1  }
0xda: {  	v3 =	vand.u32 $0x7, v3;
	v4 =	vand.u32 $0xFFFFFFF0, v48  }
0xdb: {  	v3 =	vor.u32 v3, v4  }
0xdc: {  	v4 =	vperm.xlane v3, v0;
	_ =	sdelay $0x1  }
0xdd: {  	v3 =	vperm.xlane v3, v2;
	v4 =	vadd.s32 v1, v4;
	_ =	sdelay $0x1  }
0xde: {  	v3 =	vadd.s32 v1, v3;
	_ =	sdelay $0x2  }
0xdf: {  	[tilespmem:s24], [sflag:$0x1] =	stream.indirect_vreg.gather [hbm4b:s1+s3], $0x80, v4, vm0, $0xb8;
	[tilespmem:$0x10100] =	vst v63  }
0xe0: {  	_ = 	snop  }
0xe1: {  	[tilespmem:s19], [sflag:$0x1] =	stream.indirect_vreg.gather [hbm4b:s1+s3], $0x80, v3, vm0, $0xb8;
	[tilespmem:$0x10100] =	vst v63  }
0xe2: {  	v3 =	vld [tilespmem:$0x10];
	_ =	sdelay $0x4  }
0xe3: {  	v49 =	vshll.u32 v3, $0x1  }
0xe4: {  	v3 =	vand.u32 $0x7, v3;
	v4 =	vand.u32 $0xFFFFFFF0, v49  }
0xe5: {  	v3 =	vor.u32 v3, v4  }
0xe6: {  	v4 =	vperm.xlane v3, v0;
	_ =	sdelay $0x1  }
0xe7: {  	v3 =	vperm.xlane v3, v2;
	v4 =	vadd.s32 v1, v4;
	_ =	sdelay $0x1  }
0xe8: {  	v3 =	vadd.s32 v1, v3;
	_ =	sdelay $0x2  }
0xe9: {  	[tilespmem:s20], [sflag:$0x1] =	stream.indirect_vreg.gather [hbm4b:s1+s3], $0x80, v4, vm0, $0xb8;
	[tilespmem:$0x10100] =	vst v63  }
0xea: {  	_ = 	snop  }
0xeb: {  	[tilespmem:s21], [sflag:$0x1] =	stream.indirect_vreg.gather [hbm4b:s1+s3], $0x80, v3, vm0, $0xb8;
	[tilespmem:$0x10100] =	vst v63  }
0xec: {  	v3 =	vld [tilespmem:$0x20];
	_ =	sdelay $0x4  }
0xed: {  	v50 =	vshll.u32 v3, $0x1  }
0xee: {  	v3 =	vand.u32 $0x7, v3;
	v4 =	vand.u32 $0xFFFFFFF0, v50  }
0xef: {  	v3 =	vor.u32 v3, v4  }
0xf0: {  	v4 =	vperm.xlane v3, v0;
	_ =	sdelay $0x1  }
0xf1: {  	v3 =	vperm.xlane v3, v2;
	v4 =	vadd.s32 v1, v4;
	_ =	sdelay $0x1  }
0xf2: {  	v3 =	vadd.s32 v1, v3;
	_ =	sdelay $0x2  }
0xf3: {  	[tilespmem:s23], [sflag:$0x1] =	stream.indirect_vreg.gather [hbm4b:s1+s3], $0x80, v4, vm0, $0xb8;
	[tilespmem:$0x10100] =	vst v63  }
0xf4: {  	_ = 	snop  }
0xf5: {  	[tilespmem:s25], [sflag:$0x1] =	stream.indirect_vreg.gather [hbm4b:s1+s3], $0x80, v3, vm0, $0xb8;
	[tilespmem:$0x10100] =	vst v63  }
0xf6: {  	v3 =	vld [tilespmem:$0x30];
	_ =	sdelay $0x4  }
0xf7: {  	v51 =	vshll.u32 v3, $0x1  }
0xf8: {  	v3 =	vand.u32 $0x7, v3;
	v4 =	vand.u32 $0xFFFFFFF0, v51  }
0xf9: {  	v3 =	vor.u32 v3, v4  }
0xfa: {  	v4 =	vperm.xlane v3, v0;
	_ =	sdelay $0x1  }
0xfb: {  	v3 =	vperm.xlane v3, v2;
	v4 =	vadd.s32 v1, v4;
	_ =	sdelay $0x1  }
0xfc: {  	v3 =	vadd.s32 v1, v3;
	_ =	sdelay $0x2  }
0xfd: {  	[tilespmem:s26], [sflag:$0x1] =	stream.indirect_vreg.gather [hbm4b:s1+s3], $0x80, v4, vm0, $0xb8;
	[tilespmem:$0x10100] =	vst v63  }
0xfe: {  	_ = 	snop  }
0xff: {  	[tilespmem:s28], [sflag:$0x1] =	stream.indirect_vreg.gather [hbm4b:s1+s3], $0x80, v3, vm0, $0xb8;
	[tilespmem:$0x10100] =	vst v63  }
0x100: {  	v3 =	vld [tilespmem:$0x40];
	_ =	sdelay $0x4  }
0x101: {  	v52 =	vshll.u32 v3, $0x1  }
0x102: {  	v3 =	vand.u32 $0x7, v3;
	v4 =	vand.u32 $0xFFFFFFF0, v52  }
0x103: {  	v3 =	vor.u32 v3, v4  }
0x104: {  	v4 =	vperm.xlane v3, v0;
	_ =	sdelay $0x1  }
0x105: {  	v3 =	vperm.xlane v3, v2;
	v4 =	vadd.s32 v1, v4;
	_ =	sdelay $0x1  }
0x106: {  	v3 =	vadd.s32 v1, v3;
	_ =	sdelay $0x2  }
0x107: {  	[tilespmem:s29], [sflag:$0x1] =	stream.indirect_vreg.gather [hbm4b:s1+s3], $0x80, v4, vm0, $0xb8;
	[tilespmem:$0x10100] =	vst v63  }
0x108: {  	_ = 	snop  }
0x109: {  	[tilespmem:s30], [sflag:$0x1] =	stream.indirect_vreg.gather [hbm4b:s1+s3], $0x80, v3, vm0, $0xb8;
	[tilespmem:$0x10100] =	vst v63  }
0x10a: {  	v3 =	vld [tilespmem:$0x50];
	_ =	sdelay $0x4  }
0x10b: {  	v53 =	vshll.u32 v3, $0x1  }
0x10c: {  	v3 =	vand.u32 $0x7, v3;
	v4 =	vand.u32 $0xFFFFFFF0, v53  }
0x10d: {  	v3 =	vor.u32 v3, v4  }
0x10e: {  	v4 =	vperm.xlane v3, v0;
	_ =	sdelay $0x1  }
0x10f: {  	v3 =	vperm.xlane v3, v2;
	v4 =	vadd.s32 v1, v4;
	_ =	sdelay $0x1  }
0x110: {  	v3 =	vadd.s32 v1, v3;
	_ =	sdelay $0x2  }
0x111: {  	[tilespmem:s31], [sflag:$0x1] =	stream.indirect_vreg.gather [hbm4b:s1+s3], $0x80, v4, vm0, $0xb8;
	[tilespmem:$0x10100] =	vst v63  }
0x112: {  	_ = 	snop  }
0x113: {  	[tilespmem:s6], [sflag:$0x1] =	stream.indirect_vreg.gather [hbm4b:s1+s3], $0x80, v3, vm0, $0xb8;
	[tilespmem:$0x10100] =	vst v63  }
0x114: {  	v3 =	vld [tilespmem:$0x60];
	_ =	sdelay $0x4  }
0x115: {  	v54 =	vshll.u32 v3, $0x1  }
0x116: {  	v3 =	vand.u32 $0x7, v3;
	v4 =	vand.u32 $0xFFFFFFF0, v54  }
0x117: {  	v3 =	vor.u32 v3, v4  }
0x118: {  	v4 =	vperm.xlane v3, v0;
	_ =	sdelay $0x1  }
0x119: {  	v3 =	vperm.xlane v3, v2;
	v4 =	vadd.s32 v1, v4;
	_ =	sdelay $0x1  }
0x11a: {  	v3 =	vadd.s32 v1, v3;
	_ =	sdelay $0x2  }
0x11b: {  	[tilespmem:s2], [sflag:$0x1] =	stream.indirect_vreg.gather [hbm4b:s1+s3], $0x80, v4, vm0, $0xb8;
	[tilespmem:$0x10100] =	vst v63  }
0x11c: {  	_ = 	snop  }
0x11d: {  	[tilespmem:s7], [sflag:$0x1] =	stream.indirect_vreg.gather [hbm4b:s1+s3], $0x80, v3, vm0, $0xb8;
	[tilespmem:$0x10100] =	vst v63  }
0x11e: {  	v3 =	vld [tilespmem:$0x70];
	_ =	sdelay $0x4  }
0x11f: {  	v55 =	vshll.u32 v3, $0x1  }
0x120: {  	v3 =	vand.u32 $0x7, v3;
	v4 =	vand.u32 $0xFFFFFFF0, v55  }
0x121: {  	v3 =	vor.u32 v3, v4  }
0x122: {  	v4 =	vperm.xlane v3, v0;
	_ =	sdelay $0x1  }
0x123: {  	v3 =	vperm.xlane v3, v2;
	v4 =	vadd.s32 v1, v4;
	_ =	sdelay $0x1  }
0x124: {  	v3 =	vadd.s32 v1, v3;
	_ =	sdelay $0x2  }
0x125: {  	[tilespmem:s8], [sflag:$0x1] =	stream.indirect_vreg.gather [hbm4b:s1+s3], $0x80, v4, vm0, $0xb8;
	[tilespmem:$0x10100] =	vst v63  }
0x126: {  	_ = 	snop  }
0x127: {  	[tilespmem:s9], [sflag:$0x1] =	stream.indirect_vreg.gather [hbm4b:s1+s3], $0x80, v3, vm0, $0xb8;
	[tilespmem:$0x10100] =	vst v63  }
0x128: {  	_ =	swait.ge [sflag:s0], $0x8000  }
0x129: {  	[sflag:s0] =	ssyncset.done $0x0  }
0x12a: {  	s17 =	rddreg [dreg:$0x9];
	[sflag:s0] =	ssyncadd.s32 $0xFFFF8000  }
0x12b: {  	[hbm4b:s17+s3] =	stream.linear.scatter [tilespmem:s24], [sflag:$0x3], $0x8000, $0x38;
	[tilespmem:$0x10100] =	vst v63  }
0x12c: {  	_ =	swait.ge [sflag:s16], $0x8000  }
0x12d: {  	[sflag:s16] =	ssyncset.done $0x0  }
0x12e: {  	s0 =	rddreg [dreg:$0xa];
	[sflag:s16] =	ssyncadd.s32 $0xFFFF8000  }
0x12f: {  	[tilespmem:s10], [sflag:$0x5] =	stream.linear.gather [hbm4b:s0+s3], $0x80, $0x38;
	[tilespmem:$0x10100] =	vst v63  }
0x130: {  	_ =	swait.ge [sflag:s5], $0x80  }
0x131: {  	[sflag:s5] =	ssyncset.done $0x0  }
0x132: {  	[sflag:s5] =	ssyncadd.s32 $0xFFFFFF80  }
0x133: {  	v3 =	vld [tilespmem:$0x80];
	_ =	sdelay $0x4  }
0x134: {  	v56 =	vshll.u32 v3, $0x1  }
0x135: {  	v3 =	vand.u32 $0x7, v3;
	v4 =	vand.u32 $0xFFFFFFF0, v56  }
0x136: {  	v3 =	vor.u32 v3, v4  }
0x137: {  	v4 =	vperm.xlane v3, v0;
	_ =	sdelay $0x1  }
0x138: {  	v3 =	vperm.xlane v3, v2;
	v4 =	vadd.s32 v1, v4;
	_ =	sdelay $0x1  }
0x139: {  	v3 =	vadd.s32 v1, v3;
	_ =	sdelay $0x2  }
0x13a: {  	[tilespmem:s22], [sflag:$0x2] =	stream.indirect_vreg.gather [hbm4b:s1+s3], $0x80, v4, vm0, $0xb8;
	[tilespmem:$0x10100] =	vst v63  }
0x13b: {  	_ = 	snop  }
0x13c: {  	[tilespmem:s18], [sflag:$0x2] =	stream.indirect_vreg.gather [hbm4b:s1+s3], $0x80, v3, vm0, $0xb8;
	[tilespmem:$0x10100] =	vst v63  }
0x13d: {  	v3 =	vld [tilespmem:$0x90];
	_ =	sdelay $0x4  }
0x13e: {  	v57 =	vshll.u32 v3, $0x1  }
0x13f: {  	v3 =	vand.u32 $0x7, v3;
	v4 =	vand.u32 $0xFFFFFFF0, v57  }
0x140: {  	v3 =	vor.u32 v3, v4  }
0x141: {  	v4 =	vperm.xlane v3, v0;
	_ =	sdelay $0x1  }
0x142: {  	v3 =	vperm.xlane v3, v2;
	v4 =	vadd.s32 v1, v4;
	_ =	sdelay $0x1  }
0x143: {  	v3 =	vadd.s32 v1, v3;
	_ =	sdelay $0x2  }
0x144: {  	[tilespmem:s11], [sflag:$0x2] =	stream.indirect_vreg.gather [hbm4b:s1+s3], $0x80, v4, vm0, $0xb8;
	[tilespmem:$0x10100] =	vst v63  }
0x145: {  	_ = 	snop  }
0x146: {  	[tilespmem:s12], [sflag:$0x2] =	stream.indirect_vreg.gather [hbm4b:s1+s3], $0x80, v3, vm0, $0xb8;
	[tilespmem:$0x10100] =	vst v63  }
0x147: {  	v3 =	vld [tilespmem:$0xA0];
	_ =	sdelay $0x4  }
0x148: {  	v58 =	vshll.u32 v3, $0x1  }
0x149: {  	v3 =	vand.u32 $0x7, v3;
	v4 =	vand.u32 $0xFFFFFFF0, v58  }
0x14a: {  	v3 =	vor.u32 v3, v4  }
0x14b: {  	v4 =	vperm.xlane v3, v0;
	_ =	sdelay $0x1  }
0x14c: {  	v3 =	vperm.xlane v3, v2;
	v4 =	vadd.s32 v1, v4;
	_ =	sdelay $0x1  }
0x14d: {  	v3 =	vadd.s32 v1, v3;
	_ =	sdelay $0x2  }
0x14e: {  	[tilespmem:s13], [sflag:$0x2] =	stream.indirect_vreg.gather [hbm4b:s1+s3], $0x80, v4, vm0, $0xb8;
	[tilespmem:$0x10100] =	vst v63  }
0x14f: {  	s17 =	simm.s32 $0xA900  }
0x150: {  	[tilespmem:s17], [sflag:$0x2] =	stream.indirect_vreg.gather [hbm4b:s1+s3], $0x80, v3, vm0, $0xb8;
	[tilespmem:$0x10100] =	vst v63  }
0x151: {  	v3 =	vld [tilespmem:$0xB0];
	_ =	sdelay $0x4  }
0x152: {  	v59 =	vshll.u32 v3, $0x1  }
0x153: {  	v3 =	vand.u32 $0x7, v3;
	v4 =	vand.u32 $0xFFFFFFF0, v59  }
0x154: {  	v3 =	vor.u32 v3, v4  }
0x155: {  	v4 =	vperm.xlane v3, v0;
	_ =	sdelay $0x1  }
0x156: {  	v3 =	vperm.xlane v3, v2;
	v4 =	vadd.s32 v1, v4;
	_ =	sdelay $0x1  }
0x157: {  	v3 =	vadd.s32 v1, v3;
	_ =	sdelay $0x1  }
0x158: {  	s18 =	simm.s32 $0xB100  }
0x159: {  	[tilespmem:s18], [sflag:$0x2] =	stream.indirect_vreg.gather [hbm4b:s1+s3], $0x80, v4, vm0, $0xb8;
	[tilespmem:$0x10100] =	vst v63  }
0x15a: {  	s17 =	simm.s32 $0xB900  }
0x15b: {  	[tilespmem:s17], [sflag:$0x2] =	stream.indirect_vreg.gather [hbm4b:s1+s3], $0x80, v3, vm0, $0xb8;
	[tilespmem:$0x10100] =	vst v63  }
0x15c: {  	v3 =	vld [tilespmem:$0xC0];
	_ =	sdelay $0x4  }
0x15d: {  	v60 =	vshll.u32 v3, $0x1  }
0x15e: {  	v3 =	vand.u32 $0x7, v3;
	v4 =	vand.u32 $0xFFFFFFF0, v60  }
0x15f: {  	v3 =	vor.u32 v3, v4  }
0x160: {  	v4 =	vperm.xlane v3, v0;
	_ =	sdelay $0x1  }
0x161: {  	v3 =	vperm.xlane v3, v2;
	v4 =	vadd.s32 v1, v4;
	_ =	sdelay $0x1  }
0x162: {  	v3 =	vadd.s32 v1, v3;
	_ =	sdelay $0x1  }
0x163: {  	s18 =	simm.s32 $0xC100  }
0x164: {  	[tilespmem:s18], [sflag:$0x2] =	stream.indirect_vreg.gather [hbm4b:s1+s3], $0x80, v4, vm0, $0xb8;
	[tilespmem:$0x10100] =	vst v63  }
0x165: {  	s17 =	simm.s32 $0xC900  }
0x166: {  	[tilespmem:s17], [sflag:$0x2] =	stream.indirect_vreg.gather [hbm4b:s1+s3], $0x80, v3, vm0, $0xb8;
	[tilespmem:$0x10100] =	vst v63  }
0x167: {  	v3 =	vld [tilespmem:$0xD0];
	_ =	sdelay $0x4  }
0x168: {  	v61 =	vshll.u32 v3, $0x1  }
0x169: {  	v3 =	vand.u32 $0x7, v3;
	v4 =	vand.u32 $0xFFFFFFF0, v61  }
0x16a: {  	v3 =	vor.u32 v3, v4  }
0x16b: {  	v4 =	vperm.xlane v3, v0;
	_ =	sdelay $0x1  }
0x16c: {  	v3 =	vperm.xlane v3, v2;
	v4 =	vadd.s32 v1, v4;
	_ =	sdelay $0x1  }
0x16d: {  	v3 =	vadd.s32 v1, v3;
	_ =	sdelay $0x1  }
0x16e: {  	s18 =	simm.s32 $0xD100  }
0x16f: {  	[tilespmem:s18], [sflag:$0x2] =	stream.indirect_vreg.gather [hbm4b:s1+s3], $0x80, v4, vm0, $0xb8;
	[tilespmem:$0x10100] =	vst v63  }
0x170: {  	s17 =	simm.s32 $0xD900  }
0x171: {  	[tilespmem:s17], [sflag:$0x2] =	stream.indirect_vreg.gather [hbm4b:s1+s3], $0x80, v3, vm0, $0xb8;
	[tilespmem:$0x10100] =	vst v63  }
0x172: {  	v3 =	vld [tilespmem:$0xE0];
	_ =	sdelay $0x4  }
0x173: {  	v62 =	vshll.u32 v3, $0x1  }
0x174: {  	v3 =	vand.u32 $0x7, v3;
	v4 =	vand.u32 $0xFFFFFFF0, v62  }
0x175: {  	v3 =	vor.u32 v3, v4  }
0x176: {  	v4 =	vperm.xlane v3, v0;
	_ =	sdelay $0x1  }
0x177: {  	v3 =	vperm.xlane v3, v2;
	v4 =	vadd.s32 v1, v4;
	_ =	sdelay $0x1  }
0x178: {  	v3 =	vadd.s32 v1, v3;
	_ =	sdelay $0x1  }
0x179: {  	s18 =	simm.s32 $0xE100  }
0x17a: {  	[tilespmem:s18], [sflag:$0x2] =	stream.indirect_vreg.gather [hbm4b:s1+s3], $0x80, v4, vm0, $0xb8;
	[tilespmem:$0x10100] =	vst v63  }
0x17b: {  	s17 =	simm.s32 $0xE900  }
0x17c: {  	[tilespmem:s17], [sflag:$0x2] =	stream.indirect_vreg.gather [hbm4b:s1+s3], $0x80, v3, vm0, $0xb8;
	[tilespmem:$0x10100] =	vst v63  }
0x17d: {  	v3 =	vld [tilespmem:$0xF0];
	_ =	sdelay $0x4  }
0x17e: {  	v63 =	vshll.u32 v3, $0x1  }
0x17f: {  	v3 =	vand.u32 $0x7, v3;
	v4 =	vand.u32 $0xFFFFFFF0, v63  }
0x180: {  	v3 =	vor.u32 v3, v4  }
0x181: {  	v4 =	vperm.xlane v3, v0;
	_ =	sdelay $0x1  }
0x182: {  	v3 =	vperm.xlane v3, v2;
	v4 =	vadd.s32 v1, v4;
	_ =	sdelay $0x1  }
0x183: {  	v3 =	vadd.s32 v1, v3;
	_ =	sdelay $0x1  }
0x184: {  	s18 =	simm.s32 $0xF100  }
0x185: {  	[tilespmem:s18], [sflag:$0x2] =	stream.indirect_vreg.gather [hbm4b:s1+s3], $0x80, v4, vm0, $0xb8;
	[tilespmem:$0x10100] =	vst v63  }
0x186: {  	s17 =	simm.s32 $0xF900  }
0x187: {  	[tilespmem:s17], [sflag:$0x2] =	stream.indirect_vreg.gather [hbm4b:s1+s3], $0x80, v3, vm0, $0xb8;
	[tilespmem:$0x10100] =	vst v63  }
0x188: {  	_ =	swait.ge [sflag:s14], $0x8000  }
0x189: {  	[sflag:s14] =	ssyncset.done $0x0  }
0x18a: {  	s18 =	rddreg [dreg:$0xb];
	[sflag:s14] =	ssyncadd.s32 $0xFFFF8000  }
0x18b: {  	[hbm4b:s18+s3] =	stream.linear.scatter [tilespmem:s22], [sflag:$0x4], $0x8000, $0x38;
	[tilespmem:$0x10100] =	vst v63  }
0x18c: {  	p0 =	sne.s32 s4, $0x1;
	_ =	swait.ge [sflag:s15], $0x8000  }
.Ltmp0:
0x18d: {  	[sflag:s15] =	ssyncset.done $0x0;
	(pc) =	sbr.rel @p0 .LBB2_1-.Ltmp0, $4  }
0x18e: {  	[sflag:s15] =	ssyncadd.s32 $0xFFFF8000  }
0x18f: {  	_ =	swait.ge [sflag:s16], $0x8000  }
0x190: {  	[sflag:s16] =	ssyncset.done $0x0  }
0x191: {  	s4 =	sadd.s32 $0xFFFFFFFF, s4;
	[sflag:s16] =	ssyncadd.s32 $0xFFFF8000  }
0x192: {  	_ =	sfence.sel $0x180000  }
0x193: {  	[bflag:$0x0] =	sbarrier.arrive $0xFFFF  }
0x194: {  	_ =	strace $0x90000047  }
0x195: {  	s0 =	stileid.u32;
	[bflag:$0x2] =	sbarrier.arrive $0xFFFF  }
0x196: {  	p0 =	sne.s32 s0, $0x0;
	s0 =	rddreg [dreg:$0x3]  }
0x197: {  	s0 =	sadd.s32 @!p0 $0x100000, s0  }
0x198: {  	[sflag:s0] =	ssyncadd.tile.s32 @!p0 $0x1;
	_ =	shalt  }
.Lfunc_end2:
_tile_overlayer_lowered:
.L_overlay_start_2:
0x199: {  	(tag) =	ssettag $0x2  }
0x19a: {  	s0 =	rddreg [dreg:$0x0];
	s2 =	stileid.u32  }
0x19b: {  	s1 =	rddreg [dreg:$0x1];
	p0 =	sne.s32 s2, $0x0  }
0x19c: {  	s3 =	rddreg [dreg:$0x2];
	[bflag:$0x3] =	sbarrier.arrive $0xFFFF;
	s2 =	simm.s32 @!p0 $0x1C05  }
0x19d: {  	[timem:s3], [sflag:s2] =	dma.local @!p0 [hbm:s0], s1  }
0x19e: {  	s0 =	simm.s32 @!p0 $0x5  }
0x19f: {  	_ =	swait.ge @!p0 [sflag:s0], s1  }
0x1a0: {  	s1 =	ssub.s32 @!p0 $0x0, s1;
	[sflag:s0] =	ssyncset.done @!p0 $0x0  }
0x1a1: {  	[sflag:s0] =	ssyncadd.s32 @!p0 s1  }
0x1a2: {  	[bflag:$0x3] =	sbarrier.arrive $0xFFFF  }
0x1a3: {  	_ =	shalt  }

</sc_bundles>
